<compile_context>
chip_gen: v7x
topology: tpu7x:2x2x1
jax: 0.10.2.dev20260603
libtpu: 0.0.44.dev20260713+nightly
codegen_flags: <defaults>
</compile_context>

<pallas_src>
import functools

import jax
import jax.numpy as jnp
from jax import lax
from jax.experimental import pallas as pl
from jax.experimental.pallas import tpu as pltpu
from jax.experimental.pallas import tpu_sc as plsc

T = 4
DIM = 128
N = 10000
M = 80000

NC = 2
NS = 16
NW = NC * NS
CH = 128
GRP = 16
E = T * M
NCH = 80
EPW = NCH * CH

NB = 2
MM_BLK = N // NB
NROWS = N
ZROW = T * N
N_PAD = 10240
RPT = N_PAD // NS


def _mm_body(ns_ref, w_ref, b_ref, out_ref):
    i = pl.program_id(0)

    @pl.when(i < NB)
    def _():
        out_ref[...] = lax.dot_general(
            ns_ref[...], w_ref[...], (((1,), (1,)), ((), ())),
            preferred_element_type=jnp.float32) + b_ref[0]

    @pl.when(i >= NB)
    def _():
        out_ref[...] = jnp.zeros_like(out_ref)


def _build_table(node_states, W, b2d):
    return pl.pallas_call(
        _mm_body,
        grid=(NB + 1, T),
        in_specs=[
            pl.BlockSpec((MM_BLK, DIM), lambda i, t: (jnp.minimum(i, NB - 1), 0)),
            pl.BlockSpec((DIM, DIM), lambda i, t: (t, 0)),
            pl.BlockSpec((1, 1, DIM), lambda i, t: (t, 0, 0)),
        ],
        out_specs=pl.BlockSpec(
            (MM_BLK, DIM),
            lambda i, t: (jnp.where(i < NB, t * NB + i, T * NB), 0)),
        out_shape=jax.ShapeDtypeStruct(((T * NB + 1) * MM_BLK, DIM), jnp.float32),
    )(node_states, W, b2d)


def _sc_body(table_hbm, src_hbm, tgt_hbm, out_hbm,
             src_v, tgt_v, buf0, buf1, acc, sem0, sem1, semt):
    cid = lax.axis_index("c")
    sid = lax.axis_index("s")
    wid = cid * NS + sid

    pltpu.sync_copy(src_hbm.at[wid], src_v)
    pltpu.sync_copy(tgt_hbm.at[wid, pl.ds(0, GRP)], tgt_v.at[0])

    row0 = sid * RPT
    pltpu.sync_copy(table_hbm.at[pl.ds(ZROW, RPT)], acc.at[pl.ds(row0, RPT)])
    plsc.subcore_barrier()

    bufs = (buf0, buf1)
    sems = (sem0, sem1)
    ngrp = NCH // GRP

    pltpu.async_copy(table_hbm.at[src_v.at[0]], buf0, sem0)

    def group(g, carry):
        @pl.when(g + 1 < ngrp)
        def _():
            pltpu.async_copy(
                tgt_hbm.at[wid, pl.ds((g + 1) * GRP, GRP)],
                tgt_v.at[(g + 1) % 2], semt)

        for p in range(GRP):
            j = g * GRP + p
            @pl.when(j + 1 < NCH)
            def _():
                pltpu.async_copy(
                    table_hbm.at[src_v.at[j + 1]],
                    bufs[(p + 1) % 2], sems[(p + 1) % 2])

            pltpu.make_async_copy(
                table_hbm.at[pl.ds(0, CH)], bufs[p % 2], sems[p % 2]).wait()

            pltpu.sync_copy(bufs[p % 2], acc.at[tgt_v.at[g % 2, p]], add=True)

        @pl.when(g + 1 < ngrp)
        def _():
            pltpu.make_async_copy(
                tgt_hbm.at[wid, pl.ds(0, GRP)], tgt_v.at[(g + 1) % 2],
                semt).wait()
        return carry

    lax.fori_loop(0, ngrp, group, 0)

    plsc.subcore_barrier()
    pltpu.sync_copy(acc.at[pl.ds(row0, RPT)],
                    out_hbm.at[cid, pl.ds(row0, RPT)])


_sc_scatter = functools.partial(
    pl.kernel,
    out_type=jax.ShapeDtypeStruct((NC, N_PAD, DIM), jnp.float32),
    mesh=plsc.VectorSubcoreMesh(core_axis_name="c", subcore_axis_name="s"),
    scratch_types=[
        pltpu.VMEM((NCH, CH), jnp.int32),
        pltpu.VMEM((2, GRP, CH), jnp.int32),
        pltpu.VMEM((CH, DIM), jnp.float32),
        pltpu.VMEM((CH, DIM), jnp.float32),
        pltpu.VMEM_SHARED((N_PAD, DIM), jnp.float32),
        pltpu.SemaphoreType.DMA,
        pltpu.SemaphoreType.DMA,
        pltpu.SemaphoreType.DMA,
    ],
)(_sc_body)


def _merge_body(p_ref, o_ref):
    o_ref[...] = p_ref[0] + p_ref[1]


def _merge(parts):
    return pl.pallas_call(
        _merge_body,
        grid=(NB,),
        in_specs=[pl.BlockSpec((NC, MM_BLK, DIM), lambda i: (0, i, 0))],
        out_specs=pl.BlockSpec((MM_BLK, DIM), lambda i: (i, 0)),
        out_shape=jax.ShapeDtypeStruct((N, DIM), jnp.float32),
    )(parts)


def kernel(edge_lists, node_states, W, b):
    edge_lists = edge_lists.astype(jnp.int32)
    table = _build_table(node_states, W, b.reshape(T, 1, DIM))

    src = edge_lists[:, :, 0] + (jnp.arange(T, dtype=jnp.int32) * NROWS)[:, None]
    tgt = edge_lists[:, :, 1]
    pad = NW * EPW - E
    pad_ids = jnp.arange(pad, dtype=jnp.int32)
    src_w = jnp.concatenate(
        [src.reshape(-1), ZROW + pad_ids % MM_BLK]).reshape(NW, NCH, CH)
    tgt_w = jnp.concatenate(
        [tgt.reshape(-1), pad_ids % N]).reshape(NW, NCH, CH)

    parts = _sc_scatter(table, src_w, tgt_w)
    return _merge(parts)

# --- scband reference (transcript-rebuilt; emitter-appended) ---
"""Pipeline reference for scband-messaging-layer-90993177133437 (READ-ONLY COPY).

The authoritative reference and input builder live on the scoring server;
editing this copy changes nothing except your own understanding.
"""

import jax, jax.numpy as jnp
import numpy as np

T = 4          # forward_edge_type_count=2, use_backward_edges=True -> 4 edge types
DIM = 128      # 112 text + 16 selector
N = 10000      # n_nodes
M = 80000      # edges per edge type


def setup_inputs(seed: int = 0) -> dict:
    key = jax.random.key(seed)
    k1, k2, k3 = jax.random.split(key, 3)
    # edge_lists: [T, M, 2] -- iterating yields per-type <M, 2> edge lists, matching torch forward
    edge_lists = jax.random.randint(k1, (T, M, 2), 0, N)
    node_states = jax.random.normal(k2, (N, DIM), dtype=jnp.float32)
    # LinearNet(DIM -> DIM*T) parameters (dropout=0.0 so it is a plain affine map)
    W = jax.random.normal(k3, (T * DIM, DIM), dtype=jnp.float32) * (1.0 / np.sqrt(DIM))
    b = jnp.zeros((T * DIM,), dtype=jnp.float32)
    return {"edge_lists": edge_lists, "node_states": node_states, "W": W, "b": b}


def reference(edge_lists, node_states, W, b):
    # transform(node_states): [N, T*DIM]
    prop = node_states @ W.T + b
    # .transpose(0, 1).view(T, DIM, -1): [T, DIM, N]
    prop = prop.T.reshape(T, DIM, -1)
    messages_by_targets = jnp.zeros_like(node_states)
    for i in range(T):
        edge_sources = edge_lists[i, :, 0]
        edge_targets = edge_lists[i, :, 1]
        # F.embedding(edge_sources, prop[i].transpose(0,1)) -> gather rows of [N, DIM]
        messages_by_source = jnp.take(prop[i].T, edge_sources, axis=0)
        # index_add_ -> scatter-add into target nodes
        messages_by_targets = messages_by_targets.at[edge_targets].add(messages_by_source)
    return messages_by_targets

if __name__ == "__main__":
    import jax
    _d = setup_inputs()
    print(jax.jit(kernel)(*tuple(_d.values())))

</pallas_src>

<mosaic_0001>
#map = affine_map<(d0, d1) -> (0, 0)>
#map1 = affine_map<(d0, d1) -> (0, 0, 0)>
module attributes {stable_mosaic.version = 14 : i64} {
  func.func @_sc_body(%arg0: i32, %arg1: i32, %arg2: memref<45000x128xf32, #tpu.memory_space<hbm>>, %arg3: memref<32x80x128xi32, #tpu.memory_space<hbm>>, %arg4: memref<32x80x128xi32, #tpu.memory_space<hbm>>, %arg5: memref<2x10240x128xf32, #tpu.memory_space<hbm>>, %arg6: memref<80x128xi32, #tpu.memory_space<vmem>>, %arg7: memref<2x16x128xi32, #tpu.memory_space<vmem>>, %arg8: memref<128x128xf32, #tpu.memory_space<vmem>>, %arg9: memref<128x128xf32, #tpu.memory_space<vmem>>, %arg10: memref<10240x128xf32, #tpu.memory_space<vmem_shared>>, %arg11: memref<!tpu.dma_semaphore, #tpu.memory_space<semaphore_mem>>, %arg12: memref<!tpu.dma_semaphore, #tpu.memory_space<semaphore_mem>>, %arg13: memref<!tpu.dma_semaphore, #tpu.memory_space<semaphore_mem>>) attributes {dimension_semantics = [#tpu.dimension_semantics<core_parallel>, #tpu.dimension_semantics<subcore_parallel>], iteration_bounds = array<i64: 2, 16>, scalar_prefetch = 0 : i64, scratch_operands = 8 : i64, tpu.core_type = #tpu.core_type<sc_vector_subcore>, window_params = [{transform_indices = #map}, {transform_indices = #map1}, {transform_indices = #map1}, {transform_indices = #map1}]} {
    %mul3A = arith.constant 16 : i32
    %mul3A_0 = arith.muli %arg0, %mul3A : i32
    %add3A = arith.addi %mul3A_0, %arg1 : i32
    "tpu.region"() ({
      %run_scoped3A_15 = tpu.sem_alloc : memref<!tpu.dma_semaphore, #tpu.memory_space<semaphore_mem>>
      %dma_start3A_16 = arith.constant 0 : i32
      %dma_start3A_17 = arith.constant 0 : i32
      %dma_start3A_18 = tpu.memref_slice %arg3[%add3A, %dma_start3A_16, %dma_start3A_17] : memref<32x80x128xi32, #tpu.memory_space<hbm>> -> memref<1x80x128xi32, #tpu.memory_space<hbm>>
      %dma_start3A_19 = tpu.memref_squeeze %dma_start3A_18 : memref<1x80x128xi32, #tpu.memory_space<hbm>> -> memref<80x128xi32, #tpu.memory_space<hbm>>
      %dma_start3A_20 = arith.constant 0 : i32
      %dma_start3A_21 = arith.constant 0 : i32
      %dma_start3A_22 = tpu.memref_slice %arg3[%add3A, %dma_start3A_20, %dma_start3A_21] : memref<32x80x128xi32, #tpu.memory_space<hbm>> -> memref<1x80x128xi32, #tpu.memory_space<hbm>>
      %dma_start3A_23 = tpu.memref_squeeze %dma_start3A_22 : memref<1x80x128xi32, #tpu.memory_space<hbm>> -> memref<80x128xi32, #tpu.memory_space<hbm>>
      tpu.enqueue_dma source(%dma_start3A_23 : memref<80x128xi32, #tpu.memory_space<hbm>>) target(%arg6 : memref<80x128xi32, #tpu.memory_space<vmem>>) target_semaphore(%run_scoped3A_15 : memref<!tpu.dma_semaphore, #tpu.memory_space<semaphore_mem>>)
      %dma_wait3A = arith.constant 0 : i32
      %dma_wait3A_24 = arith.constant 0 : i32
      %dma_wait3A_25 = tpu.memref_slice %arg3[%add3A, %dma_wait3A, %dma_wait3A_24] : memref<32x80x128xi32, #tpu.memory_space<hbm>> -> memref<1x80x128xi32, #tpu.memory_space<hbm>>
      %dma_wait3A_26 = tpu.memref_squeeze %dma_wait3A_25 : memref<1x80x128xi32, #tpu.memory_space<hbm>> -> memref<80x128xi32, #tpu.memory_space<hbm>>
      %dma_wait3A_27 = arith.constant 0 : i32
      %dma_wait3A_28 = arith.constant 0 : i32
      %dma_wait3A_29 = tpu.memref_slice %arg3[%add3A, %dma_wait3A_27, %dma_wait3A_28] : memref<32x80x128xi32, #tpu.memory_space<hbm>> -> memref<1x80x128xi32, #tpu.memory_space<hbm>>
      %dma_wait3A_30 = tpu.memref_squeeze %dma_wait3A_29 : memref<1x80x128xi32, #tpu.memory_space<hbm>> -> memref<80x128xi32, #tpu.memory_space<hbm>>
      tpu.wait_dma2 semaphore(%run_scoped3A_15 : memref<!tpu.dma_semaphore, #tpu.memory_space<semaphore_mem>>) src(%dma_wait3A_30 : memref<80x128xi32, #tpu.memory_space<hbm>>) dst(%arg6 : memref<80x128xi32, #tpu.memory_space<vmem>>)
      tpu.yield
    }) : () -> ()
    %run_scoped3A = arith.constant 0 : i32
    "tpu.region"() ({
      %run_scoped3A_15 = tpu.sem_alloc : memref<!tpu.dma_semaphore, #tpu.memory_space<semaphore_mem>>
      %dma_start3A_16 = arith.constant 0 : i32
      %dma_start3A_17 = arith.constant 0 : i32
      %dma_start3A_18 = tpu.memref_slice %arg7[%run_scoped3A, %dma_start3A_16, %dma_start3A_17] : memref<2x16x128xi32, #tpu.memory_space<vmem>> -> memref<1x16x128xi32, #tpu.memory_space<vmem>>
      %dma_start3A_19 = tpu.memref_squeeze %dma_start3A_18 : memref<1x16x128xi32, #tpu.memory_space<vmem>> -> memref<16x128xi32, #tpu.memory_space<vmem>>
      %dma_start3A_20 = arith.constant 0 : i32
      %dma_start3A_21 = arith.constant 0 : i32
      %dma_start3A_22 = tpu.memref_slice %arg4[%add3A, %dma_start3A_20, %dma_start3A_21] : memref<32x80x128xi32, #tpu.memory_space<hbm>> -> memref<1x16x128xi32, #tpu.memory_space<hbm>>
      %dma_start3A_23 = tpu.memref_squeeze %dma_start3A_22 : memref<1x16x128xi32, #tpu.memory_space<hbm>> -> memref<16x128xi32, #tpu.memory_space<hbm>>
      %dma_start3A_24 = arith.constant 0 : i32
      %dma_start3A_25 = arith.constant 0 : i32
      %dma_start3A_26 = tpu.memref_slice %arg7[%run_scoped3A, %dma_start3A_24, %dma_start3A_25] : memref<2x16x128xi32, #tpu.memory_space<vmem>> -> memref<1x16x128xi32, #tpu.memory_space<vmem>>
      %dma_start3A_27 = tpu.memref_squeeze %dma_start3A_26 : memref<1x16x128xi32, #tpu.memory_space<vmem>> -> memref<16x128xi32, #tpu.memory_space<vmem>>
      %dma_start3A_28 = arith.constant 0 : i32
      %dma_start3A_29 = arith.constant 0 : i32
      %dma_start3A_30 = tpu.memref_slice %arg4[%add3A, %dma_start3A_28, %dma_start3A_29] : memref<32x80x128xi32, #tpu.memory_space<hbm>> -> memref<1x16x128xi32, #tpu.memory_space<hbm>>
      %dma_start3A_31 = tpu.memref_squeeze %dma_start3A_30 : memref<1x16x128xi32, #tpu.memory_space<hbm>> -> memref<16x128xi32, #tpu.memory_space<hbm>>
      tpu.enqueue_dma source(%dma_start3A_31 : memref<16x128xi32, #tpu.memory_space<hbm>>) target(%dma_start3A_27 : memref<16x128xi32, #tpu.memory_space<vmem>>) target_semaphore(%run_scoped3A_15 : memref<!tpu.dma_semaphore, #tpu.memory_space<semaphore_mem>>)
      %dma_wait3A = arith.constant 0 : i32
      %dma_wait3A_32 = arith.constant 0 : i32
      %dma_wait3A_33 = tpu.memref_slice %arg7[%run_scoped3A, %dma_wait3A, %dma_wait3A_32] : memref<2x16x128xi32, #tpu.memory_space<vmem>> -> memref<1x16x128xi32, #tpu.memory_space<vmem>>
      %dma_wait3A_34 = tpu.memref_squeeze %dma_wait3A_33 : memref<1x16x128xi32, #tpu.memory_space<vmem>> -> memref<16x128xi32, #tpu.memory_space<vmem>>
      %dma_wait3A_35 = arith.constant 0 : i32
      %dma_wait3A_36 = arith.constant 0 : i32
      %dma_wait3A_37 = tpu.memref_slice %arg4[%add3A, %dma_wait3A_35, %dma_wait3A_36] : memref<32x80x128xi32, #tpu.memory_space<hbm>> -> memref<1x16x128xi32, #tpu.memory_space<hbm>>
      %dma_wait3A_38 = tpu.memref_squeeze %dma_wait3A_37 : memref<1x16x128xi32, #tpu.memory_space<hbm>> -> memref<16x128xi32, #tpu.memory_space<hbm>>
      %dma_wait3A_39 = arith.constant 0 : i32
      %dma_wait3A_40 = arith.constant 0 : i32
      %dma_wait3A_41 = tpu.memref_slice %arg7[%run_scoped3A, %dma_wait3A_39, %dma_wait3A_40] : memref<2x16x128xi32, #tpu.memory_space<vmem>> -> memref<1x16x128xi32, #tpu.memory_space<vmem>>
      %dma_wait3A_42 = tpu.memref_squeeze %dma_wait3A_41 : memref<1x16x128xi32, #tpu.memory_space<vmem>> -> memref<16x128xi32, #tpu.memory_space<vmem>>
      %dma_wait3A_43 = arith.constant 0 : i32
      %dma_wait3A_44 = arith.constant 0 : i32
      %dma_wait3A_45 = tpu.memref_slice %arg4[%add3A, %dma_wait3A_43, %dma_wait3A_44] : memref<32x80x128xi32, #tpu.memory_space<hbm>> -> memref<1x16x128xi32, #tpu.memory_space<hbm>>
      %dma_wait3A_46 = tpu.memref_squeeze %dma_wait3A_45 : memref<1x16x128xi32, #tpu.memory_space<hbm>> -> memref<16x128xi32, #tpu.memory_space<hbm>>
      tpu.wait_dma2 semaphore(%run_scoped3A_15 : memref<!tpu.dma_semaphore, #tpu.memory_space<semaphore_mem>>) src(%dma_wait3A_46 : memref<16x128xi32, #tpu.memory_space<hbm>>) dst(%dma_wait3A_42 : memref<16x128xi32, #tpu.memory_space<vmem>>)
      tpu.yield
    }) : () -> ()
    %mul3A_1 = arith.constant 640 : i32
    %mul3A_2 = arith.muli %arg1, %mul3A_1 : i32
    "tpu.region"() ({
      %run_scoped3A_15 = tpu.sem_alloc : memref<!tpu.dma_semaphore, #tpu.memory_space<semaphore_mem>>
      %dma_start3A_16 = arith.constant 0 : i32
      %dma_start3A_17 = tpu.memref_slice %arg10[%mul3A_2, %dma_start3A_16] : memref<10240x128xf32, #tpu.memory_space<vmem_shared>> -> memref<640x128xf32, #tpu.memory_space<vmem_shared>>
      %dma_start3A_18 = arith.constant 40000 : i32
      %dma_start3A_19 = arith.constant 0 : i32
      %dma_start3A_20 = tpu.memref_slice %arg2[%dma_start3A_18, %dma_start3A_19] : memref<45000x128xf32, #tpu.memory_space<hbm>> -> memref<640x128xf32, #tpu.memory_space<hbm>>
      tpu.enqueue_dma source(%dma_start3A_20 : memref<640x128xf32, #tpu.memory_space<hbm>>) target(%dma_start3A_17 : memref<640x128xf32, #tpu.memory_space<vmem_shared>>) target_semaphore(%run_scoped3A_15 : memref<!tpu.dma_semaphore, #tpu.memory_space<semaphore_mem>>)
      %dma_wait3A = arith.constant 0 : i32
      %dma_wait3A_21 = tpu.memref_slice %arg10[%mul3A_2, %dma_wait3A] : memref<10240x128xf32, #tpu.memory_space<vmem_shared>> -> memref<640x128xf32, #tpu.memory_space<vmem_shared>>
      %dma_wait3A_22 = arith.constant 40000 : i32
      %dma_wait3A_23 = arith.constant 0 : i32
      %dma_wait3A_24 = tpu.memref_slice %arg2[%dma_wait3A_22, %dma_wait3A_23] : memref<45000x128xf32, #tpu.memory_space<hbm>> -> memref<640x128xf32, #tpu.memory_space<hbm>>
      tpu.wait_dma2 semaphore(%run_scoped3A_15 : memref<!tpu.dma_semaphore, #tpu.memory_space<semaphore_mem>>) src(%dma_wait3A_24 : memref<640x128xf32, #tpu.memory_space<hbm>>) dst(%dma_wait3A_21 : memref<640x128xf32, #tpu.memory_space<vmem_shared>>)
      tpu.yield
    }) : () -> ()
    %barrier3A = arith.constant 0 : index
    tpu.barrier barrier_id(%barrier3A)
    %dma_start3A = arith.constant 0 : i32
    %dma_start3A_3 = arith.constant 0 : i32
    %dma_start3A_4 = tpu.memref_slice %arg6[%dma_start3A, %dma_start3A_3] : memref<80x128xi32, #tpu.memory_space<vmem>> -> memref<1x128xi32, #tpu.memory_space<vmem>>
    %dma_start3A_5 = tpu.memref_squeeze %dma_start3A_4 : memref<1x128xi32, #tpu.memory_space<vmem>> -> memref<128xi32, #tpu.memory_space<vmem>>
    %dma_start3A_6 = arith.constant 0 : i32
    %dma_start3A_7 = arith.constant 0 : i32
    %dma_start3A_8 = tpu.memref_slice %arg2[%dma_start3A_6, %dma_start3A_7] : memref<45000x128xf32, #tpu.memory_space<hbm>> -> memref<45000x128xf32, #tpu.memory_space<hbm>>
    tpu.enqueue_indirect_dma source(%dma_start3A_8 : memref<45000x128xf32, #tpu.memory_space<hbm>>) target(%arg8 : memref<128x128xf32, #tpu.memory_space<vmem>>) offsets(%dma_start3A_5 : memref<128xi32, #tpu.memory_space<vmem>>) semaphore(%arg11 : memref<!tpu.dma_semaphore, #tpu.memory_space<semaphore_mem>>)
    %scan3A = arith.constant 0 : i32
    %scan3A_9 = arith.constant 0 : i32
    %scan3A_10 = arith.constant 5 : i32
    %scan3A_11 = arith.addi %scan3A_9, %scan3A_10 : i32
    %scan3A_12 = arith.constant 1 : i32
    scf.for %scan3A_15 = %scan3A_9 to %scan3A_11 step %scan3A_12  : i32 {
      %add3A_16 = arith.constant 1 : i32
      %add3A_17 = arith.addi %scan3A_15, %add3A_16 : i32
      %lt3A = arith.constant 5 : i32
      %lt3A_18 = arith.cmpi slt, %add3A_17, %lt3A : i32
      %convert_element_type3A = arith.extui %lt3A_18 : i1 to i32
      %cond3A = arith.constant 0 : i32
      %cond3A_19 = arith.cmpi ne, %convert_element_type3A, %cond3A : i32
      scf.if %cond3A_19 {
        %add3A_564 = arith.constant 1 : i32
        %add3A_565 = arith.addi %scan3A_15, %add3A_564 : i32
        %mul3A_566 = arith.constant 16 : i32
        %mul3A_567 = arith.muli %add3A_565, %mul3A_566 : i32
        %add3A_568 = arith.constant 1 : i32
        %add3A_569 = arith.addi %scan3A_15, %add3A_568 : i32
        %jit3A_570 = arith.constant 2 : i32
        %eq3A_571 = arith.constant 0 : i32
        %eq3A_572 = arith.cmpi eq, %jit3A_570, %eq3A_571 : i32
        %jit3A_573 = arith.constant 1 : i32
        %select_n3A_574 = arith.select %eq3A_572, %jit3A_573, %jit3A_570 : i32
        %rem3A_575 = arith.remsi %add3A_569, %select_n3A_574 : i32
        %ne3A_576 = arith.constant 0 : i32
        %ne3A_577 = arith.cmpi ne, %rem3A_575, %ne3A_576 : i32
        %lt3A_578 = arith.constant 0 : i32
        %lt3A_579 = arith.cmpi slt, %rem3A_575, %lt3A_578 : i32
        %lt3A_580 = arith.constant 0 : i32
        %lt3A_581 = arith.cmpi slt, %select_n3A_574, %lt3A_580 : i32
        %ne3A_582 = arith.xori %lt3A_579, %lt3A_581 : i1
        %and3A_583 = arith.andi %ne3A_582, %ne3A_577 : i1
        %add3A_584 = arith.addi %rem3A_575, %select_n3A_574 : i32
        %select_n3A_585 = arith.select %and3A_583, %add3A_584, %rem3A_575 : i32
        %dma_start3A_586 = arith.constant 0 : i32
        %dma_start3A_587 = arith.constant 0 : i32
        %dma_start3A_588 = tpu.memref_slice %arg7[%select_n3A_585, %dma_start3A_586, %dma_start3A_587] : memref<2x16x128xi32, #tpu.memory_space<vmem>> -> memref<1x16x128xi32, #tpu.memory_space<vmem>>
        %dma_start3A_589 = tpu.memref_squeeze %dma_start3A_588 : memref<1x16x128xi32, #tpu.memory_space<vmem>> -> memref<16x128xi32, #tpu.memory_space<vmem>>
        %dma_start3A_590 = arith.constant 0 : i32
        %dma_start3A_591 = tpu.memref_slice %arg4[%add3A, %mul3A_567, %dma_start3A_590] : memref<32x80x128xi32, #tpu.memory_space<hbm>> -> memref<1x16x128xi32, #tpu.memory_space<hbm>>
        %dma_start3A_592 = tpu.memref_squeeze %dma_start3A_591 : memref<1x16x128xi32, #tpu.memory_space<hbm>> -> memref<16x128xi32, #tpu.memory_space<hbm>>
        %dma_start3A_593 = arith.constant 0 : i32
        %dma_start3A_594 = arith.constant 0 : i32
        %dma_start3A_595 = tpu.memref_slice %arg7[%select_n3A_585, %dma_start3A_593, %dma_start3A_594] : memref<2x16x128xi32, #tpu.memory_space<vmem>> -> memref<1x16x128xi32, #tpu.memory_space<vmem>>
        %dma_start3A_596 = tpu.memref_squeeze %dma_start3A_595 : memref<1x16x128xi32, #tpu.memory_space<vmem>> -> memref<16x128xi32, #tpu.memory_space<vmem>>
        %dma_start3A_597 = arith.constant 0 : i32
        %dma_start3A_598 = tpu.memref_slice %arg4[%add3A, %mul3A_567, %dma_start3A_597] : memref<32x80x128xi32, #tpu.memory_space<hbm>> -> memref<1x16x128xi32, #tpu.memory_space<hbm>>
        %dma_start3A_599 = tpu.memref_squeeze %dma_start3A_598 : memref<1x16x128xi32, #tpu.memory_space<hbm>> -> memref<16x128xi32, #tpu.memory_space<hbm>>
        tpu.enqueue_dma source(%dma_start3A_599 : memref<16x128xi32, #tpu.memory_space<hbm>>) target(%dma_start3A_596 : memref<16x128xi32, #tpu.memory_space<vmem>>) target_semaphore(%arg13 : memref<!tpu.dma_semaphore, #tpu.memory_space<semaphore_mem>>)
      } else {
      }
      %mul3A_20 = arith.constant 16 : i32
      %mul3A_21 = arith.muli %scan3A_15, %mul3A_20 : i32
      %add3A_22 = arith.constant 0 : i32
      %add3A_23 = arith.addi %mul3A_21, %add3A_22 : i32
      %add3A_24 = arith.constant 1 : i32
      %add3A_25 = arith.addi %add3A_23, %add3A_24 : i32
      %lt3A_26 = arith.constant 80 : i32
      %lt3A_27 = arith.cmpi slt, %add3A_25, %lt3A_26 : i32
      %convert_element_type3A_28 = arith.extui %lt3A_27 : i1 to i32
      %cond3A_29 = arith.constant 0 : i32
      %cond3A_30 = arith.cmpi ne, %convert_element_type3A_28, %cond3A_29 : i32
      scf.if %cond3A_30 {
        %add3A_564 = arith.constant 1 : i32
        %add3A_565 = arith.addi %add3A_23, %add3A_564 : i32
        %dma_start3A_566 = arith.constant 0 : i32
        %dma_start3A_567 = tpu.memref_slice %arg6[%add3A_565, %dma_start3A_566] : memref<80x128xi32, #tpu.memory_space<vmem>> -> memref<1x128xi32, #tpu.memory_space<vmem>>
        %dma_start3A_568 = tpu.memref_squeeze %dma_start3A_567 : memref<1x128xi32, #tpu.memory_space<vmem>> -> memref<128xi32, #tpu.memory_space<vmem>>
        %dma_start3A_569 = arith.constant 0 : i32
        %dma_start3A_570 = arith.constant 0 : i32
        %dma_start3A_571 = tpu.memref_slice %arg2[%dma_start3A_569, %dma_start3A_570] : memref<45000x128xf32, #tpu.memory_space<hbm>> -> memref<45000x128xf32, #tpu.memory_space<hbm>>
        tpu.enqueue_indirect_dma source(%dma_start3A_571 : memref<45000x128xf32, #tpu.memory_space<hbm>>) target(%arg9 : memref<128x128xf32, #tpu.memory_space<vmem>>) offsets(%dma_start3A_568 : memref<128xi32, #tpu.memory_space<vmem>>) semaphore(%arg12 : memref<!tpu.dma_semaphore, #tpu.memory_space<semaphore_mem>>)
      } else {
      }
      %dma_wait3A = arith.constant 0 : i32
      %dma_wait3A_31 = arith.constant 0 : i32
      %dma_wait3A_32 = tpu.memref_slice %arg2[%dma_wait3A, %dma_wait3A_31] : memref<45000x128xf32, #tpu.memory_space<hbm>> -> memref<128x128xf32, #tpu.memory_space<hbm>>
      %dma_wait3A_33 = arith.constant 0 : i32
      %dma_wait3A_34 = arith.constant 0 : i32
      %dma_wait3A_35 = tpu.memref_slice %arg2[%dma_wait3A_33, %dma_wait3A_34] : memref<45000x128xf32, #tpu.memory_space<hbm>> -> memref<128x128xf32, #tpu.memory_space<hbm>>
      tpu.wait_dma2 semaphore(%arg11 : memref<!tpu.dma_semaphore, #tpu.memory_space<semaphore_mem>>) src(%dma_wait3A_35 : memref<128x128xf32, #tpu.memory_space<hbm>>) dst(%arg8 : memref<128x128xf32, #tpu.memory_space<vmem>>)
      %jit3A = arith.constant 2 : i32
      %eq3A = arith.constant 0 : i32
      %eq3A_36 = arith.cmpi eq, %jit3A, %eq3A : i32
      %jit3A_37 = arith.constant 1 : i32
      %select_n3A = arith.select %eq3A_36, %jit3A_37, %jit3A : i32
      %rem3A = arith.remsi %scan3A_15, %select_n3A : i32
      %ne3A = arith.constant 0 : i32
      %ne3A_38 = arith.cmpi ne, %rem3A, %ne3A : i32
      %lt3A_39 = arith.constant 0 : i32
      %lt3A_40 = arith.cmpi slt, %rem3A, %lt3A_39 : i32
      %lt3A_41 = arith.constant 0 : i32
      %lt3A_42 = arith.cmpi slt, %select_n3A, %lt3A_41 : i32
      %ne3A_43 = arith.xori %lt3A_40, %lt3A_42 : i1
      %and3A = arith.andi %ne3A_43, %ne3A_38 : i1
      %add3A_44 = arith.addi %rem3A, %select_n3A : i32
      %select_n3A_45 = arith.select %and3A, %add3A_44, %rem3A : i32
      %run_scoped3A_46 = arith.constant 0 : i32
      "tpu.region"() ({
        %run_scoped3A_564 = tpu.sem_alloc : memref<!tpu.dma_semaphore, #tpu.memory_space<semaphore_mem>>
        %dma_start3A_565 = arith.constant 0 : i32
        %dma_start3A_566 = tpu.memref_slice %arg7[%select_n3A_45, %run_scoped3A_46, %dma_start3A_565] : memref<2x16x128xi32, #tpu.memory_space<vmem>> -> memref<1x1x128xi32, #tpu.memory_space<vmem>>
        %dma_start3A_567 = tpu.memref_squeeze %dma_start3A_566 : memref<1x1x128xi32, #tpu.memory_space<vmem>> -> memref<128xi32, #tpu.memory_space<vmem>>
        %dma_start3A_568 = arith.constant 0 : i32
        %dma_start3A_569 = arith.constant 0 : i32
        %dma_start3A_570 = tpu.memref_slice %arg10[%dma_start3A_568, %dma_start3A_569] : memref<10240x128xf32, #tpu.memory_space<vmem_shared>> -> memref<10240x128xf32, #tpu.memory_space<vmem_shared>>
        tpu.enqueue_indirect_dma source(%arg8 : memref<128x128xf32, #tpu.memory_space<vmem>>) target(%dma_start3A_570 : memref<10240x128xf32, #tpu.memory_space<vmem_shared>>) offsets(%dma_start3A_567 : memref<128xi32, #tpu.memory_space<vmem>>) semaphore(%run_scoped3A_564 : memref<!tpu.dma_semaphore, #tpu.memory_space<semaphore_mem>>) {add = true}
        %dma_wait3A_571 = arith.constant 0 : i32
        %dma_wait3A_572 = tpu.memref_slice %arg7[%select_n3A_45, %run_scoped3A_46, %dma_wait3A_571] : memref<2x16x128xi32, #tpu.memory_space<vmem>> -> memref<1x1x128xi32, #tpu.memory_space<vmem>>
        %dma_wait3A_573 = tpu.memref_squeeze %dma_wait3A_572 : memref<1x1x128xi32, #tpu.memory_space<vmem>> -> memref<128xi32, #tpu.memory_space<vmem>>
        %dma_wait3A_574 = arith.constant 0 : i32
        %dma_wait3A_575 = arith.constant 0 : i32
        %dma_wait3A_576 = tpu.memref_slice %arg10[%dma_wait3A_574, %dma_wait3A_575] : memref<10240x128xf32, #tpu.memory_space<vmem_shared>> -> memref<10240x128xf32, #tpu.memory_space<vmem_shared>>
        tpu.wait_indirect_dma semaphore(%run_scoped3A_564 : memref<!tpu.dma_semaphore, #tpu.memory_space<semaphore_mem>>) src(%arg8 : memref<128x128xf32, #tpu.memory_space<vmem>>) dst(%dma_wait3A_576 : memref<10240x128xf32, #tpu.memory_space<vmem_shared>>)
        tpu.yield
      }) : () -> ()
      %mul3A_47 = arith.constant 16 : i32
      %mul3A_48 = arith.muli %scan3A_15, %mul3A_47 : i32
      %add3A_49 = arith.constant 1 : i32
      %add3A_50 = arith.addi %mul3A_48, %add3A_49 : i32
      %add3A_51 = arith.constant 1 : i32
      %add3A_52 = arith.addi %add3A_50, %add3A_51 : i32
      %lt3A_53 = arith.constant 80 : i32
      %lt3A_54 = arith.cmpi slt, %add3A_52, %lt3A_53 : i32
      %convert_element_type3A_55 = arith.extui %lt3A_54 : i1 to i32
      %cond3A_56 = arith.constant 0 : i32
      %cond3A_57 = arith.cmpi ne, %convert_element_type3A_55, %cond3A_56 : i32
      scf.if %cond3A_57 {
        %add3A_564 = arith.constant 1 : i32
        %add3A_565 = arith.addi %add3A_50, %add3A_564 : i32
        %dma_start3A_566 = arith.constant 0 : i32
        %dma_start3A_567 = tpu.memref_slice %arg6[%add3A_565, %dma_start3A_566] : memref<80x128xi32, #tpu.memory_space<vmem>> -> memref<1x128xi32, #tpu.memory_space<vmem>>
        %dma_start3A_568 = tpu.memref_squeeze %dma_start3A_567 : memref<1x128xi32, #tpu.memory_space<vmem>> -> memref<128xi32, #tpu.memory_space<vmem>>
        %dma_start3A_569 = arith.constant 0 : i32
        %dma_start3A_570 = arith.constant 0 : i32
        %dma_start3A_571 = tpu.memref_slice %arg2[%dma_start3A_569, %dma_start3A_570] : memref<45000x128xf32, #tpu.memory_space<hbm>> -> memref<45000x128xf32, #tpu.memory_space<hbm>>
        tpu.enqueue_indirect_dma source(%dma_start3A_571 : memref<45000x128xf32, #tpu.memory_space<hbm>>) target(%arg8 : memref<128x128xf32, #tpu.memory_space<vmem>>) offsets(%dma_start3A_568 : memref<128xi32, #tpu.memory_space<vmem>>) semaphore(%arg11 : memref<!tpu.dma_semaphore, #tpu.memory_space<semaphore_mem>>)
      } else {
      }
      %dma_wait3A_58 = arith.constant 0 : i32
      %dma_wait3A_59 = arith.constant 0 : i32
      %dma_wait3A_60 = tpu.memref_slice %arg2[%dma_wait3A_58, %dma_wait3A_59] : memref<45000x128xf32, #tpu.memory_space<hbm>> -> memref<128x128xf32, #tpu.memory_space<hbm>>
      %dma_wait3A_61 = arith.constant 0 : i32
      %dma_wait3A_62 = arith.constant 0 : i32
      %dma_wait3A_63 = tpu.memref_slice %arg2[%dma_wait3A_61, %dma_wait3A_62] : memref<45000x128xf32, #tpu.memory_space<hbm>> -> memref<128x128xf32, #tpu.memory_space<hbm>>
      tpu.wait_dma2 semaphore(%arg12 : memref<!tpu.dma_semaphore, #tpu.memory_space<semaphore_mem>>) src(%dma_wait3A_63 : memref<128x128xf32, #tpu.memory_space<hbm>>) dst(%arg9 : memref<128x128xf32, #tpu.memory_space<vmem>>)
      %jit3A_64 = arith.constant 2 : i32
      %eq3A_65 = arith.constant 0 : i32
      %eq3A_66 = arith.cmpi eq, %jit3A_64, %eq3A_65 : i32
      %jit3A_67 = arith.constant 1 : i32
      %select_n3A_68 = arith.select %eq3A_66, %jit3A_67, %jit3A_64 : i32
      %rem3A_69 = arith.remsi %scan3A_15, %select_n3A_68 : i32
      %ne3A_70 = arith.constant 0 : i32
      %ne3A_71 = arith.cmpi ne, %rem3A_69, %ne3A_70 : i32
      %lt3A_72 = arith.constant 0 : i32
      %lt3A_73 = arith.cmpi slt, %rem3A_69, %lt3A_72 : i32
      %lt3A_74 = arith.constant 0 : i32
      %lt3A_75 = arith.cmpi slt, %select_n3A_68, %lt3A_74 : i32
      %ne3A_76 = arith.xori %lt3A_73, %lt3A_75 : i1
      %and3A_77 = arith.andi %ne3A_76, %ne3A_71 : i1
      %add3A_78 = arith.addi %rem3A_69, %select_n3A_68 : i32
      %select_n3A_79 = arith.select %and3A_77, %add3A_78, %rem3A_69 : i32
      %run_scoped3A_80 = arith.constant 1 : i32
      "tpu.region"() ({
        %run_scoped3A_564 = tpu.sem_alloc : memref<!tpu.dma_semaphore, #tpu.memory_space<semaphore_mem>>
        %dma_start3A_565 = arith.constant 0 : i32
        %dma_start3A_566 = tpu.memref_slice %arg7[%select_n3A_79, %run_scoped3A_80, %dma_start3A_565] : memref<2x16x128xi32, #tpu.memory_space<vmem>> -> memref<1x1x128xi32, #tpu.memory_space<vmem>>
        %dma_start3A_567 = tpu.memref_squeeze %dma_start3A_566 : memref<1x1x128xi32, #tpu.memory_space<vmem>> -> memref<128xi32, #tpu.memory_space<vmem>>
        %dma_start3A_568 = arith.constant 0 : i32
        %dma_start3A_569 = arith.constant 0 : i32
        %dma_start3A_570 = tpu.memref_slice %arg10[%dma_start3A_568, %dma_start3A_569] : memref<10240x128xf32, #tpu.memory_space<vmem_shared>> -> memref<10240x128xf32, #tpu.memory_space<vmem_shared>>
        tpu.enqueue_indirect_dma source(%arg9 : memref<128x128xf32, #tpu.memory_space<vmem>>) target(%dma_start3A_570 : memref<10240x128xf32, #tpu.memory_space<vmem_shared>>) offsets(%dma_start3A_567 : memref<128xi32, #tpu.memory_space<vmem>>) semaphore(%run_scoped3A_564 : memref<!tpu.dma_semaphore, #tpu.memory_space<semaphore_mem>>) {add = true}
        %dma_wait3A_571 = arith.constant 0 : i32
        %dma_wait3A_572 = tpu.memref_slice %arg7[%select_n3A_79, %run_scoped3A_80, %dma_wait3A_571] : memref<2x16x128xi32, #tpu.memory_space<vmem>> -> memref<1x1x128xi32, #tpu.memory_space<vmem>>
        %dma_wait3A_573 = tpu.memref_squeeze %dma_wait3A_572 : memref<1x1x128xi32, #tpu.memory_space<vmem>> -> memref<128xi32, #tpu.memory_space<vmem>>
        %dma_wait3A_574 = arith.constant 0 : i32
        %dma_wait3A_575 = arith.constant 0 : i32
        %dma_wait3A_576 = tpu.memref_slice %arg10[%dma_wait3A_574, %dma_wait3A_575] : memref<10240x128xf32, #tpu.memory_space<vmem_shared>> -> memref<10240x128xf32, #tpu.memory_space<vmem_shared>>
        tpu.wait_indirect_dma semaphore(%run_scoped3A_564 : memref<!tpu.dma_semaphore, #tpu.memory_space<semaphore_mem>>) src(%arg9 : memref<128x128xf32, #tpu.memory_space<vmem>>) dst(%dma_wait3A_576 : memref<10240x128xf32, #tpu.memory_space<vmem_shared>>)
        tpu.yield
      }) : () -> ()
      %mul3A_81 = arith.constant 16 : i32
      %mul3A_82 = arith.muli %scan3A_15, %mul3A_81 : i32
      %add3A_83 = arith.constant 2 : i32
      %add3A_84 = arith.addi %mul3A_82, %add3A_83 : i32
      %add3A_85 = arith.constant 1 : i32
      %add3A_86 = arith.addi %add3A_84, %add3A_85 : i32
      %lt3A_87 = arith.constant 80 : i32
      %lt3A_88 = arith.cmpi slt, %add3A_86, %lt3A_87 : i32
      %convert_element_type3A_89 = arith.extui %lt3A_88 : i1 to i32
      %cond3A_90 = arith.constant 0 : i32
      %cond3A_91 = arith.cmpi ne, %convert_element_type3A_89, %cond3A_90 : i32
      scf.if %cond3A_91 {
        %add3A_564 = arith.constant 1 : i32
        %add3A_565 = arith.addi %add3A_84, %add3A_564 : i32
        %dma_start3A_566 = arith.constant 0 : i32
        %dma_start3A_567 = tpu.memref_slice %arg6[%add3A_565, %dma_start3A_566] : memref<80x128xi32, #tpu.memory_space<vmem>> -> memref<1x128xi32, #tpu.memory_space<vmem>>
        %dma_start3A_568 = tpu.memref_squeeze %dma_start3A_567 : memref<1x128xi32, #tpu.memory_space<vmem>> -> memref<128xi32, #tpu.memory_space<vmem>>
        %dma_start3A_569 = arith.constant 0 : i32
        %dma_start3A_570 = arith.constant 0 : i32
        %dma_start3A_571 = tpu.memref_slice %arg2[%dma_start3A_569, %dma_start3A_570] : memref<45000x128xf32, #tpu.memory_space<hbm>> -> memref<45000x128xf32, #tpu.memory_space<hbm>>
        tpu.enqueue_indirect_dma source(%dma_start3A_571 : memref<45000x128xf32, #tpu.memory_space<hbm>>) target(%arg9 : memref<128x128xf32, #tpu.memory_space<vmem>>) offsets(%dma_start3A_568 : memref<128xi32, #tpu.memory_space<vmem>>) semaphore(%arg12 : memref<!tpu.dma_semaphore, #tpu.memory_space<semaphore_mem>>)
      } else {
      }
      %dma_wait3A_92 = arith.constant 0 : i32
      %dma_wait3A_93 = arith.constant 0 : i32
      %dma_wait3A_94 = tpu.memref_slice %arg2[%dma_wait3A_92, %dma_wait3A_93] : memref<45000x128xf32, #tpu.memory_space<hbm>> -> memref<128x128xf32, #tpu.memory_space<hbm>>
      %dma_wait3A_95 = arith.constant 0 : i32
      %dma_wait3A_96 = arith.constant 0 : i32
      %dma_wait3A_97 = tpu.memref_slice %arg2[%dma_wait3A_95, %dma_wait3A_96] : memref<45000x128xf32, #tpu.memory_space<hbm>> -> memref<128x128xf32, #tpu.memory_space<hbm>>
      tpu.wait_dma2 semaphore(%arg11 : memref<!tpu.dma_semaphore, #tpu.memory_space<semaphore_mem>>) src(%dma_wait3A_97 : memref<128x128xf32, #tpu.memory_space<hbm>>) dst(%arg8 : memref<128x128xf32, #tpu.memory_space<vmem>>)
      %jit3A_98 = arith.constant 2 : i32
      %eq3A_99 = arith.constant 0 : i32
      %eq3A_100 = arith.cmpi eq, %jit3A_98, %eq3A_99 : i32
      %jit3A_101 = arith.constant 1 : i32
      %select_n3A_102 = arith.select %eq3A_100, %jit3A_101, %jit3A_98 : i32
      %rem3A_103 = arith.remsi %scan3A_15, %select_n3A_102 : i32
      %ne3A_104 = arith.constant 0 : i32
      %ne3A_105 = arith.cmpi ne, %rem3A_103, %ne3A_104 : i32
      %lt3A_106 = arith.constant 0 : i32
      %lt3A_107 = arith.cmpi slt, %rem3A_103, %lt3A_106 : i32
      %lt3A_108 = arith.constant 0 : i32
      %lt3A_109 = arith.cmpi slt, %select_n3A_102, %lt3A_108 : i32
      %ne3A_110 = arith.xori %lt3A_107, %lt3A_109 : i1
      %and3A_111 = arith.andi %ne3A_110, %ne3A_105 : i1
      %add3A_112 = arith.addi %rem3A_103, %select_n3A_102 : i32
      %select_n3A_113 = arith.select %and3A_111, %add3A_112, %rem3A_103 : i32
      %run_scoped3A_114 = arith.constant 2 : i32
      "tpu.region"() ({
        %run_scoped3A_564 = tpu.sem_alloc : memref<!tpu.dma_semaphore, #tpu.memory_space<semaphore_mem>>
        %dma_start3A_565 = arith.constant 0 : i32
        %dma_start3A_566 = tpu.memref_slice %arg7[%select_n3A_113, %run_scoped3A_114, %dma_start3A_565] : memref<2x16x128xi32, #tpu.memory_space<vmem>> -> memref<1x1x128xi32, #tpu.memory_space<vmem>>
        %dma_start3A_567 = tpu.memref_squeeze %dma_start3A_566 : memref<1x1x128xi32, #tpu.memory_space<vmem>> -> memref<128xi32, #tpu.memory_space<vmem>>
        %dma_start3A_568 = arith.constant 0 : i32
        %dma_start3A_569 = arith.constant 0 : i32
        %dma_start3A_570 = tpu.memref_slice %arg10[%dma_start3A_568, %dma_start3A_569] : memref<10240x128xf32, #tpu.memory_space<vmem_shared>> -> memref<10240x128xf32, #tpu.memory_space<vmem_shared>>
        tpu.enqueue_indirect_dma source(%arg8 : memref<128x128xf32, #tpu.memory_space<vmem>>) target(%dma_start3A_570 : memref<10240x128xf32, #tpu.memory_space<vmem_shared>>) offsets(%dma_start3A_567 : memref<128xi32, #tpu.memory_space<vmem>>) semaphore(%run_scoped3A_564 : memref<!tpu.dma_semaphore, #tpu.memory_space<semaphore_mem>>) {add = true}
        %dma_wait3A_571 = arith.constant 0 : i32
        %dma_wait3A_572 = tpu.memref_slice %arg7[%select_n3A_113, %run_scoped3A_114, %dma_wait3A_571] : memref<2x16x128xi32, #tpu.memory_space<vmem>> -> memref<1x1x128xi32, #tpu.memory_space<vmem>>
        %dma_wait3A_573 = tpu.memref_squeeze %dma_wait3A_572 : memref<1x1x128xi32, #tpu.memory_space<vmem>> -> memref<128xi32, #tpu.memory_space<vmem>>
        %dma_wait3A_574 = arith.constant 0 : i32
        %dma_wait3A_575 = arith.constant 0 : i32
        %dma_wait3A_576 = tpu.memref_slice %arg10[%dma_wait3A_574, %dma_wait3A_575] : memref<10240x128xf32, #tpu.memory_space<vmem_shared>> -> memref<10240x128xf32, #tpu.memory_space<vmem_shared>>
        tpu.wait_indirect_dma semaphore(%run_scoped3A_564 : memref<!tpu.dma_semaphore, #tpu.memory_space<semaphore_mem>>) src(%arg8 : memref<128x128xf32, #tpu.memory_space<vmem>>) dst(%dma_wait3A_576 : memref<10240x128xf32, #tpu.memory_space<vmem_shared>>)
        tpu.yield
      }) : () -> ()
      %mul3A_115 = arith.constant 16 : i32
      %mul3A_116 = arith.muli %scan3A_15, %mul3A_115 : i32
      %add3A_117 = arith.constant 3 : i32
      %add3A_118 = arith.addi %mul3A_116, %add3A_117 : i32
      %add3A_119 = arith.constant 1 : i32
      %add3A_120 = arith.addi %add3A_118, %add3A_119 : i32
      %lt3A_121 = arith.constant 80 : i32
      %lt3A_122 = arith.cmpi slt, %add3A_120, %lt3A_121 : i32
      %convert_element_type3A_123 = arith.extui %lt3A_122 : i1 to i32
      %cond3A_124 = arith.constant 0 : i32
      %cond3A_125 = arith.cmpi ne, %convert_element_type3A_123, %cond3A_124 : i32
      scf.if %cond3A_125 {
        %add3A_564 = arith.constant 1 : i32
        %add3A_565 = arith.addi %add3A_118, %add3A_564 : i32
        %dma_start3A_566 = arith.constant 0 : i32
        %dma_start3A_567 = tpu.memref_slice %arg6[%add3A_565, %dma_start3A_566] : memref<80x128xi32, #tpu.memory_space<vmem>> -> memref<1x128xi32, #tpu.memory_space<vmem>>
        %dma_start3A_568 = tpu.memref_squeeze %dma_start3A_567 : memref<1x128xi32, #tpu.memory_space<vmem>> -> memref<128xi32, #tpu.memory_space<vmem>>
        %dma_start3A_569 = arith.constant 0 : i32
        %dma_start3A_570 = arith.constant 0 : i32
        %dma_start3A_571 = tpu.memref_slice %arg2[%dma_start3A_569, %dma_start3A_570] : memref<45000x128xf32, #tpu.memory_space<hbm>> -> memref<45000x128xf32, #tpu.memory_space<hbm>>
        tpu.enqueue_indirect_dma source(%dma_start3A_571 : memref<45000x128xf32, #tpu.memory_space<hbm>>) target(%arg8 : memref<128x128xf32, #tpu.memory_space<vmem>>) offsets(%dma_start3A_568 : memref<128xi32, #tpu.memory_space<vmem>>) semaphore(%arg11 : memref<!tpu.dma_semaphore, #tpu.memory_space<semaphore_mem>>)
      } else {
      }
      %dma_wait3A_126 = arith.constant 0 : i32
      %dma_wait3A_127 = arith.constant 0 : i32
      %dma_wait3A_128 = tpu.memref_slice %arg2[%dma_wait3A_126, %dma_wait3A_127] : memref<45000x128xf32, #tpu.memory_space<hbm>> -> memref<128x128xf32, #tpu.memory_space<hbm>>
      %dma_wait3A_129 = arith.constant 0 : i32
      %dma_wait3A_130 = arith.constant 0 : i32
      %dma_wait3A_131 = tpu.memref_slice %arg2[%dma_wait3A_129, %dma_wait3A_130] : memref<45000x128xf32, #tpu.memory_space<hbm>> -> memref<128x128xf32, #tpu.memory_space<hbm>>
      tpu.wait_dma2 semaphore(%arg12 : memref<!tpu.dma_semaphore, #tpu.memory_space<semaphore_mem>>) src(%dma_wait3A_131 : memref<128x128xf32, #tpu.memory_space<hbm>>) dst(%arg9 : memref<128x128xf32, #tpu.memory_space<vmem>>)
      %jit3A_132 = arith.constant 2 : i32
      %eq3A_133 = arith.constant 0 : i32
      %eq3A_134 = arith.cmpi eq, %jit3A_132, %eq3A_133 : i32
      %jit3A_135 = arith.constant 1 : i32
      %select_n3A_136 = arith.select %eq3A_134, %jit3A_135, %jit3A_132 : i32
      %rem3A_137 = arith.remsi %scan3A_15, %select_n3A_136 : i32
      %ne3A_138 = arith.constant 0 : i32
      %ne3A_139 = arith.cmpi ne, %rem3A_137, %ne3A_138 : i32
      %lt3A_140 = arith.constant 0 : i32
      %lt3A_141 = arith.cmpi slt, %rem3A_137, %lt3A_140 : i32
      %lt3A_142 = arith.constant 0 : i32
      %lt3A_143 = arith.cmpi slt, %select_n3A_136, %lt3A_142 : i32
      %ne3A_144 = arith.xori %lt3A_141, %lt3A_143 : i1
      %and3A_145 = arith.andi %ne3A_144, %ne3A_139 : i1
      %add3A_146 = arith.addi %rem3A_137, %select_n3A_136 : i32
      %select_n3A_147 = arith.select %and3A_145, %add3A_146, %rem3A_137 : i32
      %run_scoped3A_148 = arith.constant 3 : i32
      "tpu.region"() ({
        %run_scoped3A_564 = tpu.sem_alloc : memref<!tpu.dma_semaphore, #tpu.memory_space<semaphore_mem>>
        %dma_start3A_565 = arith.constant 0 : i32
        %dma_start3A_566 = tpu.memref_slice %arg7[%select_n3A_147, %run_scoped3A_148, %dma_start3A_565] : memref<2x16x128xi32, #tpu.memory_space<vmem>> -> memref<1x1x128xi32, #tpu.memory_space<vmem>>
        %dma_start3A_567 = tpu.memref_squeeze %dma_start3A_566 : memref<1x1x128xi32, #tpu.memory_space<vmem>> -> memref<128xi32, #tpu.memory_space<vmem>>
        %dma_start3A_568 = arith.constant 0 : i32
        %dma_start3A_569 = arith.constant 0 : i32
        %dma_start3A_570 = tpu.memref_slice %arg10[%dma_start3A_568, %dma_start3A_569] : memref<10240x128xf32, #tpu.memory_space<vmem_shared>> -> memref<10240x128xf32, #tpu.memory_space<vmem_shared>>
        tpu.enqueue_indirect_dma source(%arg9 : memref<128x128xf32, #tpu.memory_space<vmem>>) target(%dma_start3A_570 : memref<10240x128xf32, #tpu.memory_space<vmem_shared>>) offsets(%dma_start3A_567 : memref<128xi32, #tpu.memory_space<vmem>>) semaphore(%run_scoped3A_564 : memref<!tpu.dma_semaphore, #tpu.memory_space<semaphore_mem>>) {add = true}
        %dma_wait3A_571 = arith.constant 0 : i32
        %dma_wait3A_572 = tpu.memref_slice %arg7[%select_n3A_147, %run_scoped3A_148, %dma_wait3A_571] : memref<2x16x128xi32, #tpu.memory_space<vmem>> -> memref<1x1x128xi32, #tpu.memory_space<vmem>>
        %dma_wait3A_573 = tpu.memref_squeeze %dma_wait3A_572 : memref<1x1x128xi32, #tpu.memory_space<vmem>> -> memref<128xi32, #tpu.memory_space<vmem>>
        %dma_wait3A_574 = arith.constant 0 : i32
        %dma_wait3A_575 = arith.constant 0 : i32
        %dma_wait3A_576 = tpu.memref_slice %arg10[%dma_wait3A_574, %dma_wait3A_575] : memref<10240x128xf32, #tpu.memory_space<vmem_shared>> -> memref<10240x128xf32, #tpu.memory_space<vmem_shared>>
        tpu.wait_indirect_dma semaphore(%run_scoped3A_564 : memref<!tpu.dma_semaphore, #tpu.memory_space<semaphore_mem>>) src(%arg9 : memref<128x128xf32, #tpu.memory_space<vmem>>) dst(%dma_wait3A_576 : memref<10240x128xf32, #tpu.memory_space<vmem_shared>>)
        tpu.yield
      }) : () -> ()
      %mul3A_149 = arith.constant 16 : i32
      %mul3A_150 = arith.muli %scan3A_15, %mul3A_149 : i32
      %add3A_151 = arith.constant 4 : i32
      %add3A_152 = arith.addi %mul3A_150, %add3A_151 : i32
      %add3A_153 = arith.constant 1 : i32
      %add3A_154 = arith.addi %add3A_152, %add3A_153 : i32
      %lt3A_155 = arith.constant 80 : i32
      %lt3A_156 = arith.cmpi slt, %add3A_154, %lt3A_155 : i32
      %convert_element_type3A_157 = arith.extui %lt3A_156 : i1 to i32
      %cond3A_158 = arith.constant 0 : i32
      %cond3A_159 = arith.cmpi ne, %convert_element_type3A_157, %cond3A_158 : i32
      scf.if %cond3A_159 {
        %add3A_564 = arith.constant 1 : i32
        %add3A_565 = arith.addi %add3A_152, %add3A_564 : i32
        %dma_start3A_566 = arith.constant 0 : i32
        %dma_start3A_567 = tpu.memref_slice %arg6[%add3A_565, %dma_start3A_566] : memref<80x128xi32, #tpu.memory_space<vmem>> -> memref<1x128xi32, #tpu.memory_space<vmem>>
        %dma_start3A_568 = tpu.memref_squeeze %dma_start3A_567 : memref<1x128xi32, #tpu.memory_space<vmem>> -> memref<128xi32, #tpu.memory_space<vmem>>
        %dma_start3A_569 = arith.constant 0 : i32
        %dma_start3A_570 = arith.constant 0 : i32
        %dma_start3A_571 = tpu.memref_slice %arg2[%dma_start3A_569, %dma_start3A_570] : memref<45000x128xf32, #tpu.memory_space<hbm>> -> memref<45000x128xf32, #tpu.memory_space<hbm>>
        tpu.enqueue_indirect_dma source(%dma_start3A_571 : memref<45000x128xf32, #tpu.memory_space<hbm>>) target(%arg9 : memref<128x128xf32, #tpu.memory_space<vmem>>) offsets(%dma_start3A_568 : memref<128xi32, #tpu.memory_space<vmem>>) semaphore(%arg12 : memref<!tpu.dma_semaphore, #tpu.memory_space<semaphore_mem>>)
      } else {
      }
      %dma_wait3A_160 = arith.constant 0 : i32
      %dma_wait3A_161 = arith.constant 0 : i32
      %dma_wait3A_162 = tpu.memref_slice %arg2[%dma_wait3A_160, %dma_wait3A_161] : memref<45000x128xf32, #tpu.memory_space<hbm>> -> memref<128x128xf32, #tpu.memory_space<hbm>>
      %dma_wait3A_163 = arith.constant 0 : i32
      %dma_wait3A_164 = arith.constant 0 : i32
      %dma_wait3A_165 = tpu.memref_slice %arg2[%dma_wait3A_163, %dma_wait3A_164] : memref<45000x128xf32, #tpu.memory_space<hbm>> -> memref<128x128xf32, #tpu.memory_space<hbm>>
      tpu.wait_dma2 semaphore(%arg11 : memref<!tpu.dma_semaphore, #tpu.memory_space<semaphore_mem>>) src(%dma_wait3A_165 : memref<128x128xf32, #tpu.memory_space<hbm>>) dst(%arg8 : memref<128x128xf32, #tpu.memory_space<vmem>>)
      %jit3A_166 = arith.constant 2 : i32
      %eq3A_167 = arith.constant 0 : i32
      %eq3A_168 = arith.cmpi eq, %jit3A_166, %eq3A_167 : i32
      %jit3A_169 = arith.constant 1 : i32
      %select_n3A_170 = arith.select %eq3A_168, %jit3A_169, %jit3A_166 : i32
      %rem3A_171 = arith.remsi %scan3A_15, %select_n3A_170 : i32
      %ne3A_172 = arith.constant 0 : i32
      %ne3A_173 = arith.cmpi ne, %rem3A_171, %ne3A_172 : i32
      %lt3A_174 = arith.constant 0 : i32
      %lt3A_175 = arith.cmpi slt, %rem3A_171, %lt3A_174 : i32
      %lt3A_176 = arith.constant 0 : i32
      %lt3A_177 = arith.cmpi slt, %select_n3A_170, %lt3A_176 : i32
      %ne3A_178 = arith.xori %lt3A_175, %lt3A_177 : i1
      %and3A_179 = arith.andi %ne3A_178, %ne3A_173 : i1
      %add3A_180 = arith.addi %rem3A_171, %select_n3A_170 : i32
      %select_n3A_181 = arith.select %and3A_179, %add3A_180, %rem3A_171 : i32
      %run_scoped3A_182 = arith.constant 4 : i32
      "tpu.region"() ({
        %run_scoped3A_564 = tpu.sem_alloc : memref<!tpu.dma_semaphore, #tpu.memory_space<semaphore_mem>>
        %dma_start3A_565 = arith.constant 0 : i32
        %dma_start3A_566 = tpu.memref_slice %arg7[%select_n3A_181, %run_scoped3A_182, %dma_start3A_565] : memref<2x16x128xi32, #tpu.memory_space<vmem>> -> memref<1x1x128xi32, #tpu.memory_space<vmem>>
        %dma_start3A_567 = tpu.memref_squeeze %dma_start3A_566 : memref<1x1x128xi32, #tpu.memory_space<vmem>> -> memref<128xi32, #tpu.memory_space<vmem>>
        %dma_start3A_568 = arith.constant 0 : i32
        %dma_start3A_569 = arith.constant 0 : i32
        %dma_start3A_570 = tpu.memref_slice %arg10[%dma_start3A_568, %dma_start3A_569] : memref<10240x128xf32, #tpu.memory_space<vmem_shared>> -> memref<10240x128xf32, #tpu.memory_space<vmem_shared>>
        tpu.enqueue_indirect_dma source(%arg8 : memref<128x128xf32, #tpu.memory_space<vmem>>) target(%dma_start3A_570 : memref<10240x128xf32, #tpu.memory_space<vmem_shared>>) offsets(%dma_start3A_567 : memref<128xi32, #tpu.memory_space<vmem>>) semaphore(%run_scoped3A_564 : memref<!tpu.dma_semaphore, #tpu.memory_space<semaphore_mem>>) {add = true}
        %dma_wait3A_571 = arith.constant 0 : i32
        %dma_wait3A_572 = tpu.memref_slice %arg7[%select_n3A_181, %run_scoped3A_182, %dma_wait3A_571] : memref<2x16x128xi32, #tpu.memory_space<vmem>> -> memref<1x1x128xi32, #tpu.memory_space<vmem>>
        %dma_wait3A_573 = tpu.memref_squeeze %dma_wait3A_572 : memref<1x1x128xi32, #tpu.memory_space<vmem>> -> memref<128xi32, #tpu.memory_space<vmem>>
        %dma_wait3A_574 = arith.constant 0 : i32
        %dma_wait3A_575 = arith.constant 0 : i32
        %dma_wait3A_576 = tpu.memref_slice %arg10[%dma_wait3A_574, %dma_wait3A_575] : memref<10240x128xf32, #tpu.memory_space<vmem_shared>> -> memref<10240x128xf32, #tpu.memory_space<vmem_shared>>
        tpu.wait_indirect_dma semaphore(%run_scoped3A_564 : memref<!tpu.dma_semaphore, #tpu.memory_space<semaphore_mem>>) src(%arg8 : memref<128x128xf32, #tpu.memory_space<vmem>>) dst(%dma_wait3A_576 : memref<10240x128xf32, #tpu.memory_space<vmem_shared>>)
        tpu.yield
      }) : () -> ()
      %mul3A_183 = arith.constant 16 : i32
      %mul3A_184 = arith.muli %scan3A_15, %mul3A_183 : i32
      %add3A_185 = arith.constant 5 : i32
      %add3A_186 = arith.addi %mul3A_184, %add3A_185 : i32
      %add3A_187 = arith.constant 1 : i32
      %add3A_188 = arith.addi %add3A_186, %add3A_187 : i32
      %lt3A_189 = arith.constant 80 : i32
      %lt3A_190 = arith.cmpi slt, %add3A_188, %lt3A_189 : i32
      %convert_element_type3A_191 = arith.extui %lt3A_190 : i1 to i32
      %cond3A_192 = arith.constant 0 : i32
      %cond3A_193 = arith.cmpi ne, %convert_element_type3A_191, %cond3A_192 : i32
      scf.if %cond3A_193 {
        %add3A_564 = arith.constant 1 : i32
        %add3A_565 = arith.addi %add3A_186, %add3A_564 : i32
        %dma_start3A_566 = arith.constant 0 : i32
        %dma_start3A_567 = tpu.memref_slice %arg6[%add3A_565, %dma_start3A_566] : memref<80x128xi32, #tpu.memory_space<vmem>> -> memref<1x128xi32, #tpu.memory_space<vmem>>
        %dma_start3A_568 = tpu.memref_squeeze %dma_start3A_567 : memref<1x128xi32, #tpu.memory_space<vmem>> -> memref<128xi32, #tpu.memory_space<vmem>>
        %dma_start3A_569 = arith.constant 0 : i32
        %dma_start3A_570 = arith.constant 0 : i32
        %dma_start3A_571 = tpu.memref_slice %arg2[%dma_start3A_569, %dma_start3A_570] : memref<45000x128xf32, #tpu.memory_space<hbm>> -> memref<45000x128xf32, #tpu.memory_space<hbm>>
        tpu.enqueue_indirect_dma source(%dma_start3A_571 : memref<45000x128xf32, #tpu.memory_space<hbm>>) target(%arg8 : memref<128x128xf32, #tpu.memory_space<vmem>>) offsets(%dma_start3A_568 : memref<128xi32, #tpu.memory_space<vmem>>) semaphore(%arg11 : memref<!tpu.dma_semaphore, #tpu.memory_space<semaphore_mem>>)
      } else {
      }
      %dma_wait3A_194 = arith.constant 0 : i32
      %dma_wait3A_195 = arith.constant 0 : i32
      %dma_wait3A_196 = tpu.memref_slice %arg2[%dma_wait3A_194, %dma_wait3A_195] : memref<45000x128xf32, #tpu.memory_space<hbm>> -> memref<128x128xf32, #tpu.memory_space<hbm>>
      %dma_wait3A_197 = arith.constant 0 : i32
      %dma_wait3A_198 = arith.constant 0 : i32
      %dma_wait3A_199 = tpu.memref_slice %arg2[%dma_wait3A_197, %dma_wait3A_198] : memref<45000x128xf32, #tpu.memory_space<hbm>> -> memref<128x128xf32, #tpu.memory_space<hbm>>
      tpu.wait_dma2 semaphore(%arg12 : memref<!tpu.dma_semaphore, #tpu.memory_space<semaphore_mem>>) src(%dma_wait3A_199 : memref<128x128xf32, #tpu.memory_space<hbm>>) dst(%arg9 : memref<128x128xf32, #tpu.memory_space<vmem>>)
      %jit3A_200 = arith.constant 2 : i32
      %eq3A_201 = arith.constant 0 : i32
      %eq3A_202 = arith.cmpi eq, %jit3A_200, %eq3A_201 : i32
      %jit3A_203 = arith.constant 1 : i32
      %select_n3A_204 = arith.select %eq3A_202, %jit3A_203, %jit3A_200 : i32
      %rem3A_205 = arith.remsi %scan3A_15, %select_n3A_204 : i32
      %ne3A_206 = arith.constant 0 : i32
      %ne3A_207 = arith.cmpi ne, %rem3A_205, %ne3A_206 : i32
      %lt3A_208 = arith.constant 0 : i32
      %lt3A_209 = arith.cmpi slt, %rem3A_205, %lt3A_208 : i32
      %lt3A_210 = arith.constant 0 : i32
      %lt3A_211 = arith.cmpi slt, %select_n3A_204, %lt3A_210 : i32
      %ne3A_212 = arith.xori %lt3A_209, %lt3A_211 : i1
      %and3A_213 = arith.andi %ne3A_212, %ne3A_207 : i1
      %add3A_214 = arith.addi %rem3A_205, %select_n3A_204 : i32
      %select_n3A_215 = arith.select %and3A_213, %add3A_214, %rem3A_205 : i32
      %run_scoped3A_216 = arith.constant 5 : i32
      "tpu.region"() ({
        %run_scoped3A_564 = tpu.sem_alloc : memref<!tpu.dma_semaphore, #tpu.memory_space<semaphore_mem>>
        %dma_start3A_565 = arith.constant 0 : i32
        %dma_start3A_566 = tpu.memref_slice %arg7[%select_n3A_215, %run_scoped3A_216, %dma_start3A_565] : memref<2x16x128xi32, #tpu.memory_space<vmem>> -> memref<1x1x128xi32, #tpu.memory_space<vmem>>
        %dma_start3A_567 = tpu.memref_squeeze %dma_start3A_566 : memref<1x1x128xi32, #tpu.memory_space<vmem>> -> memref<128xi32, #tpu.memory_space<vmem>>
        %dma_start3A_568 = arith.constant 0 : i32
        %dma_start3A_569 = arith.constant 0 : i32
        %dma_start3A_570 = tpu.memref_slice %arg10[%dma_start3A_568, %dma_start3A_569] : memref<10240x128xf32, #tpu.memory_space<vmem_shared>> -> memref<10240x128xf32, #tpu.memory_space<vmem_shared>>
        tpu.enqueue_indirect_dma source(%arg9 : memref<128x128xf32, #tpu.memory_space<vmem>>) target(%dma_start3A_570 : memref<10240x128xf32, #tpu.memory_space<vmem_shared>>) offsets(%dma_start3A_567 : memref<128xi32, #tpu.memory_space<vmem>>) semaphore(%run_scoped3A_564 : memref<!tpu.dma_semaphore, #tpu.memory_space<semaphore_mem>>) {add = true}
        %dma_wait3A_571 = arith.constant 0 : i32
        %dma_wait3A_572 = tpu.memref_slice %arg7[%select_n3A_215, %run_scoped3A_216, %dma_wait3A_571] : memref<2x16x128xi32, #tpu.memory_space<vmem>> -> memref<1x1x128xi32, #tpu.memory_space<vmem>>
        %dma_wait3A_573 = tpu.memref_squeeze %dma_wait3A_572 : memref<1x1x128xi32, #tpu.memory_space<vmem>> -> memref<128xi32, #tpu.memory_space<vmem>>
        %dma_wait3A_574 = arith.constant 0 : i32
        %dma_wait3A_575 = arith.constant 0 : i32
        %dma_wait3A_576 = tpu.memref_slice %arg10[%dma_wait3A_574, %dma_wait3A_575] : memref<10240x128xf32, #tpu.memory_space<vmem_shared>> -> memref<10240x128xf32, #tpu.memory_space<vmem_shared>>
        tpu.wait_indirect_dma semaphore(%run_scoped3A_564 : memref<!tpu.dma_semaphore, #tpu.memory_space<semaphore_mem>>) src(%arg9 : memref<128x128xf32, #tpu.memory_space<vmem>>) dst(%dma_wait3A_576 : memref<10240x128xf32, #tpu.memory_space<vmem_shared>>)
        tpu.yield
      }) : () -> ()
      %mul3A_217 = arith.constant 16 : i32
      %mul3A_218 = arith.muli %scan3A_15, %mul3A_217 : i32
      %add3A_219 = arith.constant 6 : i32
      %add3A_220 = arith.addi %mul3A_218, %add3A_219 : i32
      %add3A_221 = arith.constant 1 : i32
      %add3A_222 = arith.addi %add3A_220, %add3A_221 : i32
      %lt3A_223 = arith.constant 80 : i32
      %lt3A_224 = arith.cmpi slt, %add3A_222, %lt3A_223 : i32
      %convert_element_type3A_225 = arith.extui %lt3A_224 : i1 to i32
      %cond3A_226 = arith.constant 0 : i32
      %cond3A_227 = arith.cmpi ne, %convert_element_type3A_225, %cond3A_226 : i32
      scf.if %cond3A_227 {
        %add3A_564 = arith.constant 1 : i32
        %add3A_565 = arith.addi %add3A_220, %add3A_564 : i32
        %dma_start3A_566 = arith.constant 0 : i32
        %dma_start3A_567 = tpu.memref_slice %arg6[%add3A_565, %dma_start3A_566] : memref<80x128xi32, #tpu.memory_space<vmem>> -> memref<1x128xi32, #tpu.memory_space<vmem>>
        %dma_start3A_568 = tpu.memref_squeeze %dma_start3A_567 : memref<1x128xi32, #tpu.memory_space<vmem>> -> memref<128xi32, #tpu.memory_space<vmem>>
        %dma_start3A_569 = arith.constant 0 : i32
        %dma_start3A_570 = arith.constant 0 : i32
        %dma_start3A_571 = tpu.memref_slice %arg2[%dma_start3A_569, %dma_start3A_570] : memref<45000x128xf32, #tpu.memory_space<hbm>> -> memref<45000x128xf32, #tpu.memory_space<hbm>>
        tpu.enqueue_indirect_dma source(%dma_start3A_571 : memref<45000x128xf32, #tpu.memory_space<hbm>>) target(%arg9 : memref<128x128xf32, #tpu.memory_space<vmem>>) offsets(%dma_start3A_568 : memref<128xi32, #tpu.memory_space<vmem>>) semaphore(%arg12 : memref<!tpu.dma_semaphore, #tpu.memory_space<semaphore_mem>>)
      } else {
      }
      %dma_wait3A_228 = arith.constant 0 : i32
      %dma_wait3A_229 = arith.constant 0 : i32
      %dma_wait3A_230 = tpu.memref_slice %arg2[%dma_wait3A_228, %dma_wait3A_229] : memref<45000x128xf32, #tpu.memory_space<hbm>> -> memref<128x128xf32, #tpu.memory_space<hbm>>
      %dma_wait3A_231 = arith.constant 0 : i32
      %dma_wait3A_232 = arith.constant 0 : i32
      %dma_wait3A_233 = tpu.memref_slice %arg2[%dma_wait3A_231, %dma_wait3A_232] : memref<45000x128xf32, #tpu.memory_space<hbm>> -> memref<128x128xf32, #tpu.memory_space<hbm>>
      tpu.wait_dma2 semaphore(%arg11 : memref<!tpu.dma_semaphore, #tpu.memory_space<semaphore_mem>>) src(%dma_wait3A_233 : memref<128x128xf32, #tpu.memory_space<hbm>>) dst(%arg8 : memref<128x128xf32, #tpu.memory_space<vmem>>)
      %jit3A_234 = arith.constant 2 : i32
      %eq3A_235 = arith.constant 0 : i32
      %eq3A_236 = arith.cmpi eq, %jit3A_234, %eq3A_235 : i32
      %jit3A_237 = arith.constant 1 : i32
      %select_n3A_238 = arith.select %eq3A_236, %jit3A_237, %jit3A_234 : i32
      %rem3A_239 = arith.remsi %scan3A_15, %select_n3A_238 : i32
      %ne3A_240 = arith.constant 0 : i32
      %ne3A_241 = arith.cmpi ne, %rem3A_239, %ne3A_240 : i32
      %lt3A_242 = arith.constant 0 : i32
      %lt3A_243 = arith.cmpi slt, %rem3A_239, %lt3A_242 : i32
      %lt3A_244 = arith.constant 0 : i32
      %lt3A_245 = arith.cmpi slt, %select_n3A_238, %lt3A_244 : i32
      %ne3A_246 = arith.xori %lt3A_243, %lt3A_245 : i1
      %and3A_247 = arith.andi %ne3A_246, %ne3A_241 : i1
      %add3A_248 = arith.addi %rem3A_239, %select_n3A_238 : i32
      %select_n3A_249 = arith.select %and3A_247, %add3A_248, %rem3A_239 : i32
      %run_scoped3A_250 = arith.constant 6 : i32
      "tpu.region"() ({
        %run_scoped3A_564 = tpu.sem_alloc : memref<!tpu.dma_semaphore, #tpu.memory_space<semaphore_mem>>
        %dma_start3A_565 = arith.constant 0 : i32
        %dma_start3A_566 = tpu.memref_slice %arg7[%select_n3A_249, %run_scoped3A_250, %dma_start3A_565] : memref<2x16x128xi32, #tpu.memory_space<vmem>> -> memref<1x1x128xi32, #tpu.memory_space<vmem>>
        %dma_start3A_567 = tpu.memref_squeeze %dma_start3A_566 : memref<1x1x128xi32, #tpu.memory_space<vmem>> -> memref<128xi32, #tpu.memory_space<vmem>>
        %dma_start3A_568 = arith.constant 0 : i32
        %dma_start3A_569 = arith.constant 0 : i32
        %dma_start3A_570 = tpu.memref_slice %arg10[%dma_start3A_568, %dma_start3A_569] : memref<10240x128xf32, #tpu.memory_space<vmem_shared>> -> memref<10240x128xf32, #tpu.memory_space<vmem_shared>>
        tpu.enqueue_indirect_dma source(%arg8 : memref<128x128xf32, #tpu.memory_space<vmem>>) target(%dma_start3A_570 : memref<10240x128xf32, #tpu.memory_space<vmem_shared>>) offsets(%dma_start3A_567 : memref<128xi32, #tpu.memory_space<vmem>>) semaphore(%run_scoped3A_564 : memref<!tpu.dma_semaphore, #tpu.memory_space<semaphore_mem>>) {add = true}
        %dma_wait3A_571 = arith.constant 0 : i32
        %dma_wait3A_572 = tpu.memref_slice %arg7[%select_n3A_249, %run_scoped3A_250, %dma_wait3A_571] : memref<2x16x128xi32, #tpu.memory_space<vmem>> -> memref<1x1x128xi32, #tpu.memory_space<vmem>>
        %dma_wait3A_573 = tpu.memref_squeeze %dma_wait3A_572 : memref<1x1x128xi32, #tpu.memory_space<vmem>> -> memref<128xi32, #tpu.memory_space<vmem>>
        %dma_wait3A_574 = arith.constant 0 : i32
        %dma_wait3A_575 = arith.constant 0 : i32
        %dma_wait3A_576 = tpu.memref_slice %arg10[%dma_wait3A_574, %dma_wait3A_575] : memref<10240x128xf32, #tpu.memory_space<vmem_shared>> -> memref<10240x128xf32, #tpu.memory_space<vmem_shared>>
        tpu.wait_indirect_dma semaphore(%run_scoped3A_564 : memref<!tpu.dma_semaphore, #tpu.memory_space<semaphore_mem>>) src(%arg8 : memref<128x128xf32, #tpu.memory_space<vmem>>) dst(%dma_wait3A_576 : memref<10240x128xf32, #tpu.memory_space<vmem_shared>>)
        tpu.yield
      }) : () -> ()
      %mul3A_251 = arith.constant 16 : i32
      %mul3A_252 = arith.muli %scan3A_15, %mul3A_251 : i32
      %add3A_253 = arith.constant 7 : i32
      %add3A_254 = arith.addi %mul3A_252, %add3A_253 : i32
      %add3A_255 = arith.constant 1 : i32
      %add3A_256 = arith.addi %add3A_254, %add3A_255 : i32
      %lt3A_257 = arith.constant 80 : i32
      %lt3A_258 = arith.cmpi slt, %add3A_256, %lt3A_257 : i32
      %convert_element_type3A_259 = arith.extui %lt3A_258 : i1 to i32
      %cond3A_260 = arith.constant 0 : i32
      %cond3A_261 = arith.cmpi ne, %convert_element_type3A_259, %cond3A_260 : i32
      scf.if %cond3A_261 {
        %add3A_564 = arith.constant 1 : i32
        %add3A_565 = arith.addi %add3A_254, %add3A_564 : i32
        %dma_start3A_566 = arith.constant 0 : i32
        %dma_start3A_567 = tpu.memref_slice %arg6[%add3A_565, %dma_start3A_566] : memref<80x128xi32, #tpu.memory_space<vmem>> -> memref<1x128xi32, #tpu.memory_space<vmem>>
        %dma_start3A_568 = tpu.memref_squeeze %dma_start3A_567 : memref<1x128xi32, #tpu.memory_space<vmem>> -> memref<128xi32, #tpu.memory_space<vmem>>
        %dma_start3A_569 = arith.constant 0 : i32
        %dma_start3A_570 = arith.constant 0 : i32
        %dma_start3A_571 = tpu.memref_slice %arg2[%dma_start3A_569, %dma_start3A_570] : memref<45000x128xf32, #tpu.memory_space<hbm>> -> memref<45000x128xf32, #tpu.memory_space<hbm>>
        tpu.enqueue_indirect_dma source(%dma_start3A_571 : memref<45000x128xf32, #tpu.memory_space<hbm>>) target(%arg8 : memref<128x128xf32, #tpu.memory_space<vmem>>) offsets(%dma_start3A_568 : memref<128xi32, #tpu.memory_space<vmem>>) semaphore(%arg11 : memref<!tpu.dma_semaphore, #tpu.memory_space<semaphore_mem>>)
      } else {
      }
      %dma_wait3A_262 = arith.constant 0 : i32
      %dma_wait3A_263 = arith.constant 0 : i32
      %dma_wait3A_264 = tpu.memref_slice %arg2[%dma_wait3A_262, %dma_wait3A_263] : memref<45000x128xf32, #tpu.memory_space<hbm>> -> memref<128x128xf32, #tpu.memory_space<hbm>>
      %dma_wait3A_265 = arith.constant 0 : i32
      %dma_wait3A_266 = arith.constant 0 : i32
      %dma_wait3A_267 = tpu.memref_slice %arg2[%dma_wait3A_265, %dma_wait3A_266] : memref<45000x128xf32, #tpu.memory_space<hbm>> -> memref<128x128xf32, #tpu.memory_space<hbm>>
      tpu.wait_dma2 semaphore(%arg12 : memref<!tpu.dma_semaphore, #tpu.memory_space<semaphore_mem>>) src(%dma_wait3A_267 : memref<128x128xf32, #tpu.memory_space<hbm>>) dst(%arg9 : memref<128x128xf32, #tpu.memory_space<vmem>>)
      %jit3A_268 = arith.constant 2 : i32
      %eq3A_269 = arith.constant 0 : i32
      %eq3A_270 = arith.cmpi eq, %jit3A_268, %eq3A_269 : i32
      %jit3A_271 = arith.constant 1 : i32
      %select_n3A_272 = arith.select %eq3A_270, %jit3A_271, %jit3A_268 : i32
      %rem3A_273 = arith.remsi %scan3A_15, %select_n3A_272 : i32
      %ne3A_274 = arith.constant 0 : i32
      %ne3A_275 = arith.cmpi ne, %rem3A_273, %ne3A_274 : i32
      %lt3A_276 = arith.constant 0 : i32
      %lt3A_277 = arith.cmpi slt, %rem3A_273, %lt3A_276 : i32
      %lt3A_278 = arith.constant 0 : i32
      %lt3A_279 = arith.cmpi slt, %select_n3A_272, %lt3A_278 : i32
      %ne3A_280 = arith.xori %lt3A_277, %lt3A_279 : i1
      %and3A_281 = arith.andi %ne3A_280, %ne3A_275 : i1
      %add3A_282 = arith.addi %rem3A_273, %select_n3A_272 : i32
      %select_n3A_283 = arith.select %and3A_281, %add3A_282, %rem3A_273 : i32
      %run_scoped3A_284 = arith.constant 7 : i32
      "tpu.region"() ({
        %run_scoped3A_564 = tpu.sem_alloc : memref<!tpu.dma_semaphore, #tpu.memory_space<semaphore_mem>>
        %dma_start3A_565 = arith.constant 0 : i32
        %dma_start3A_566 = tpu.memref_slice %arg7[%select_n3A_283, %run_scoped3A_284, %dma_start3A_565] : memref<2x16x128xi32, #tpu.memory_space<vmem>> -> memref<1x1x128xi32, #tpu.memory_space<vmem>>
        %dma_start3A_567 = tpu.memref_squeeze %dma_start3A_566 : memref<1x1x128xi32, #tpu.memory_space<vmem>> -> memref<128xi32, #tpu.memory_space<vmem>>
        %dma_start3A_568 = arith.constant 0 : i32
        %dma_start3A_569 = arith.constant 0 : i32
        %dma_start3A_570 = tpu.memref_slice %arg10[%dma_start3A_568, %dma_start3A_569] : memref<10240x128xf32, #tpu.memory_space<vmem_shared>> -> memref<10240x128xf32, #tpu.memory_space<vmem_shared>>
        tpu.enqueue_indirect_dma source(%arg9 : memref<128x128xf32, #tpu.memory_space<vmem>>) target(%dma_start3A_570 : memref<10240x128xf32, #tpu.memory_space<vmem_shared>>) offsets(%dma_start3A_567 : memref<128xi32, #tpu.memory_space<vmem>>) semaphore(%run_scoped3A_564 : memref<!tpu.dma_semaphore, #tpu.memory_space<semaphore_mem>>) {add = true}
        %dma_wait3A_571 = arith.constant 0 : i32
        %dma_wait3A_572 = tpu.memref_slice %arg7[%select_n3A_283, %run_scoped3A_284, %dma_wait3A_571] : memref<2x16x128xi32, #tpu.memory_space<vmem>> -> memref<1x1x128xi32, #tpu.memory_space<vmem>>
        %dma_wait3A_573 = tpu.memref_squeeze %dma_wait3A_572 : memref<1x1x128xi32, #tpu.memory_space<vmem>> -> memref<128xi32, #tpu.memory_space<vmem>>
        %dma_wait3A_574 = arith.constant 0 : i32
        %dma_wait3A_575 = arith.constant 0 : i32
        %dma_wait3A_576 = tpu.memref_slice %arg10[%dma_wait3A_574, %dma_wait3A_575] : memref<10240x128xf32, #tpu.memory_space<vmem_shared>> -> memref<10240x128xf32, #tpu.memory_space<vmem_shared>>
        tpu.wait_indirect_dma semaphore(%run_scoped3A_564 : memref<!tpu.dma_semaphore, #tpu.memory_space<semaphore_mem>>) src(%arg9 : memref<128x128xf32, #tpu.memory_space<vmem>>) dst(%dma_wait3A_576 : memref<10240x128xf32, #tpu.memory_space<vmem_shared>>)
        tpu.yield
      }) : () -> ()
      %mul3A_285 = arith.constant 16 : i32
      %mul3A_286 = arith.muli %scan3A_15, %mul3A_285 : i32
      %add3A_287 = arith.constant 8 : i32
      %add3A_288 = arith.addi %mul3A_286, %add3A_287 : i32
      %add3A_289 = arith.constant 1 : i32
      %add3A_290 = arith.addi %add3A_288, %add3A_289 : i32
      %lt3A_291 = arith.constant 80 : i32
      %lt3A_292 = arith.cmpi slt, %add3A_290, %lt3A_291 : i32
      %convert_element_type3A_293 = arith.extui %lt3A_292 : i1 to i32
      %cond3A_294 = arith.constant 0 : i32
      %cond3A_295 = arith.cmpi ne, %convert_element_type3A_293, %cond3A_294 : i32
      scf.if %cond3A_295 {
        %add3A_564 = arith.constant 1 : i32
        %add3A_565 = arith.addi %add3A_288, %add3A_564 : i32
        %dma_start3A_566 = arith.constant 0 : i32
        %dma_start3A_567 = tpu.memref_slice %arg6[%add3A_565, %dma_start3A_566] : memref<80x128xi32, #tpu.memory_space<vmem>> -> memref<1x128xi32, #tpu.memory_space<vmem>>
        %dma_start3A_568 = tpu.memref_squeeze %dma_start3A_567 : memref<1x128xi32, #tpu.memory_space<vmem>> -> memref<128xi32, #tpu.memory_space<vmem>>
        %dma_start3A_569 = arith.constant 0 : i32
        %dma_start3A_570 = arith.constant 0 : i32
        %dma_start3A_571 = tpu.memref_slice %arg2[%dma_start3A_569, %dma_start3A_570] : memref<45000x128xf32, #tpu.memory_space<hbm>> -> memref<45000x128xf32, #tpu.memory_space<hbm>>
        tpu.enqueue_indirect_dma source(%dma_start3A_571 : memref<45000x128xf32, #tpu.memory_space<hbm>>) target(%arg9 : memref<128x128xf32, #tpu.memory_space<vmem>>) offsets(%dma_start3A_568 : memref<128xi32, #tpu.memory_space<vmem>>) semaphore(%arg12 : memref<!tpu.dma_semaphore, #tpu.memory_space<semaphore_mem>>)
      } else {
      }
      %dma_wait3A_296 = arith.constant 0 : i32
      %dma_wait3A_297 = arith.constant 0 : i32
      %dma_wait3A_298 = tpu.memref_slice %arg2[%dma_wait3A_296, %dma_wait3A_297] : memref<45000x128xf32, #tpu.memory_space<hbm>> -> memref<128x128xf32, #tpu.memory_space<hbm>>
      %dma_wait3A_299 = arith.constant 0 : i32
      %dma_wait3A_300 = arith.constant 0 : i32
      %dma_wait3A_301 = tpu.memref_slice %arg2[%dma_wait3A_299, %dma_wait3A_300] : memref<45000x128xf32, #tpu.memory_space<hbm>> -> memref<128x128xf32, #tpu.memory_space<hbm>>
      tpu.wait_dma2 semaphore(%arg11 : memref<!tpu.dma_semaphore, #tpu.memory_space<semaphore_mem>>) src(%dma_wait3A_301 : memref<128x128xf32, #tpu.memory_space<hbm>>) dst(%arg8 : memref<128x128xf32, #tpu.memory_space<vmem>>)
      %jit3A_302 = arith.constant 2 : i32
      %eq3A_303 = arith.constant 0 : i32
      %eq3A_304 = arith.cmpi eq, %jit3A_302, %eq3A_303 : i32
      %jit3A_305 = arith.constant 1 : i32
      %select_n3A_306 = arith.select %eq3A_304, %jit3A_305, %jit3A_302 : i32
      %rem3A_307 = arith.remsi %scan3A_15, %select_n3A_306 : i32
      %ne3A_308 = arith.constant 0 : i32
      %ne3A_309 = arith.cmpi ne, %rem3A_307, %ne3A_308 : i32
      %lt3A_310 = arith.constant 0 : i32
      %lt3A_311 = arith.cmpi slt, %rem3A_307, %lt3A_310 : i32
      %lt3A_312 = arith.constant 0 : i32
      %lt3A_313 = arith.cmpi slt, %select_n3A_306, %lt3A_312 : i32
      %ne3A_314 = arith.xori %lt3A_311, %lt3A_313 : i1
      %and3A_315 = arith.andi %ne3A_314, %ne3A_309 : i1
      %add3A_316 = arith.addi %rem3A_307, %select_n3A_306 : i32
      %select_n3A_317 = arith.select %and3A_315, %add3A_316, %rem3A_307 : i32
      %run_scoped3A_318 = arith.constant 8 : i32
      "tpu.region"() ({
        %run_scoped3A_564 = tpu.sem_alloc : memref<!tpu.dma_semaphore, #tpu.memory_space<semaphore_mem>>
        %dma_start3A_565 = arith.constant 0 : i32
        %dma_start3A_566 = tpu.memref_slice %arg7[%select_n3A_317, %run_scoped3A_318, %dma_start3A_565] : memref<2x16x128xi32, #tpu.memory_space<vmem>> -> memref<1x1x128xi32, #tpu.memory_space<vmem>>
        %dma_start3A_567 = tpu.memref_squeeze %dma_start3A_566 : memref<1x1x128xi32, #tpu.memory_space<vmem>> -> memref<128xi32, #tpu.memory_space<vmem>>
        %dma_start3A_568 = arith.constant 0 : i32
        %dma_start3A_569 = arith.constant 0 : i32
        %dma_start3A_570 = tpu.memref_slice %arg10[%dma_start3A_568, %dma_start3A_569] : memref<10240x128xf32, #tpu.memory_space<vmem_shared>> -> memref<10240x128xf32, #tpu.memory_space<vmem_shared>>
        tpu.enqueue_indirect_dma source(%arg8 : memref<128x128xf32, #tpu.memory_space<vmem>>) target(%dma_start3A_570 : memref<10240x128xf32, #tpu.memory_space<vmem_shared>>) offsets(%dma_start3A_567 : memref<128xi32, #tpu.memory_space<vmem>>) semaphore(%run_scoped3A_564 : memref<!tpu.dma_semaphore, #tpu.memory_space<semaphore_mem>>) {add = true}
        %dma_wait3A_571 = arith.constant 0 : i32
        %dma_wait3A_572 = tpu.memref_slice %arg7[%select_n3A_317, %run_scoped3A_318, %dma_wait3A_571] : memref<2x16x128xi32, #tpu.memory_space<vmem>> -> memref<1x1x128xi32, #tpu.memory_space<vmem>>
        %dma_wait3A_573 = tpu.memref_squeeze %dma_wait3A_572 : memref<1x1x128xi32, #tpu.memory_space<vmem>> -> memref<128xi32, #tpu.memory_space<vmem>>
        %dma_wait3A_574 = arith.constant 0 : i32
        %dma_wait3A_575 = arith.constant 0 : i32
        %dma_wait3A_576 = tpu.memref_slice %arg10[%dma_wait3A_574, %dma_wait3A_575] : memref<10240x128xf32, #tpu.memory_space<vmem_shared>> -> memref<10240x128xf32, #tpu.memory_space<vmem_shared>>
        tpu.wait_indirect_dma semaphore(%run_scoped3A_564 : memref<!tpu.dma_semaphore, #tpu.memory_space<semaphore_mem>>) src(%arg8 : memref<128x128xf32, #tpu.memory_space<vmem>>) dst(%dma_wait3A_576 : memref<10240x128xf32, #tpu.memory_space<vmem_shared>>)
        tpu.yield
      }) : () -> ()
      %mul3A_319 = arith.constant 16 : i32
      %mul3A_320 = arith.muli %scan3A_15, %mul3A_319 : i32
      %add3A_321 = arith.constant 9 : i32
      %add3A_322 = arith.addi %mul3A_320, %add3A_321 : i32
      %add3A_323 = arith.constant 1 : i32
      %add3A_324 = arith.addi %add3A_322, %add3A_323 : i32
      %lt3A_325 = arith.constant 80 : i32
      %lt3A_326 = arith.cmpi slt, %add3A_324, %lt3A_325 : i32
      %convert_element_type3A_327 = arith.extui %lt3A_326 : i1 to i32
      %cond3A_328 = arith.constant 0 : i32
      %cond3A_329 = arith.cmpi ne, %convert_element_type3A_327, %cond3A_328 : i32
      scf.if %cond3A_329 {
        %add3A_564 = arith.constant 1 : i32
        %add3A_565 = arith.addi %add3A_322, %add3A_564 : i32
        %dma_start3A_566 = arith.constant 0 : i32
        %dma_start3A_567 = tpu.memref_slice %arg6[%add3A_565, %dma_start3A_566] : memref<80x128xi32, #tpu.memory_space<vmem>> -> memref<1x128xi32, #tpu.memory_space<vmem>>
        %dma_start3A_568 = tpu.memref_squeeze %dma_start3A_567 : memref<1x128xi32, #tpu.memory_space<vmem>> -> memref<128xi32, #tpu.memory_space<vmem>>
        %dma_start3A_569 = arith.constant 0 : i32
        %dma_start3A_570 = arith.constant 0 : i32
        %dma_start3A_571 = tpu.memref_slice %arg2[%dma_start3A_569, %dma_start3A_570] : memref<45000x128xf32, #tpu.memory_space<hbm>> -> memref<45000x128xf32, #tpu.memory_space<hbm>>
        tpu.enqueue_indirect_dma source(%dma_start3A_571 : memref<45000x128xf32, #tpu.memory_space<hbm>>) target(%arg8 : memref<128x128xf32, #tpu.memory_space<vmem>>) offsets(%dma_start3A_568 : memref<128xi32, #tpu.memory_space<vmem>>) semaphore(%arg11 : memref<!tpu.dma_semaphore, #tpu.memory_space<semaphore_mem>>)
      } else {
      }
      %dma_wait3A_330 = arith.constant 0 : i32
      %dma_wait3A_331 = arith.constant 0 : i32
      %dma_wait3A_332 = tpu.memref_slice %arg2[%dma_wait3A_330, %dma_wait3A_331] : memref<45000x128xf32, #tpu.memory_space<hbm>> -> memref<128x128xf32, #tpu.memory_space<hbm>>
      %dma_wait3A_333 = arith.constant 0 : i32
      %dma_wait3A_334 = arith.constant 0 : i32
      %dma_wait3A_335 = tpu.memref_slice %arg2[%dma_wait3A_333, %dma_wait3A_334] : memref<45000x128xf32, #tpu.memory_space<hbm>> -> memref<128x128xf32, #tpu.memory_space<hbm>>
      tpu.wait_dma2 semaphore(%arg12 : memref<!tpu.dma_semaphore, #tpu.memory_space<semaphore_mem>>) src(%dma_wait3A_335 : memref<128x128xf32, #tpu.memory_space<hbm>>) dst(%arg9 : memref<128x128xf32, #tpu.memory_space<vmem>>)
      %jit3A_336 = arith.constant 2 : i32
      %eq3A_337 = arith.constant 0 : i32
      %eq3A_338 = arith.cmpi eq, %jit3A_336, %eq3A_337 : i32
      %jit3A_339 = arith.constant 1 : i32
      %select_n3A_340 = arith.select %eq3A_338, %jit3A_339, %jit3A_336 : i32
      %rem3A_341 = arith.remsi %scan3A_15, %select_n3A_340 : i32
      %ne3A_342 = arith.constant 0 : i32
      %ne3A_343 = arith.cmpi ne, %rem3A_341, %ne3A_342 : i32
      %lt3A_344 = arith.constant 0 : i32
      %lt3A_345 = arith.cmpi slt, %rem3A_341, %lt3A_344 : i32
      %lt3A_346 = arith.constant 0 : i32
      %lt3A_347 = arith.cmpi slt, %select_n3A_340, %lt3A_346 : i32
      %ne3A_348 = arith.xori %lt3A_345, %lt3A_347 : i1
      %and3A_349 = arith.andi %ne3A_348, %ne3A_343 : i1
      %add3A_350 = arith.addi %rem3A_341, %select_n3A_340 : i32
      %select_n3A_351 = arith.select %and3A_349, %add3A_350, %rem3A_341 : i32
      %run_scoped3A_352 = arith.constant 9 : i32
      "tpu.region"() ({
        %run_scoped3A_564 = tpu.sem_alloc : memref<!tpu.dma_semaphore, #tpu.memory_space<semaphore_mem>>
        %dma_start3A_565 = arith.constant 0 : i32
        %dma_start3A_566 = tpu.memref_slice %arg7[%select_n3A_351, %run_scoped3A_352, %dma_start3A_565] : memref<2x16x128xi32, #tpu.memory_space<vmem>> -> memref<1x1x128xi32, #tpu.memory_space<vmem>>
        %dma_start3A_567 = tpu.memref_squeeze %dma_start3A_566 : memref<1x1x128xi32, #tpu.memory_space<vmem>> -> memref<128xi32, #tpu.memory_space<vmem>>
        %dma_start3A_568 = arith.constant 0 : i32
        %dma_start3A_569 = arith.constant 0 : i32
        %dma_start3A_570 = tpu.memref_slice %arg10[%dma_start3A_568, %dma_start3A_569] : memref<10240x128xf32, #tpu.memory_space<vmem_shared>> -> memref<10240x128xf32, #tpu.memory_space<vmem_shared>>
        tpu.enqueue_indirect_dma source(%arg9 : memref<128x128xf32, #tpu.memory_space<vmem>>) target(%dma_start3A_570 : memref<10240x128xf32, #tpu.memory_space<vmem_shared>>) offsets(%dma_start3A_567 : memref<128xi32, #tpu.memory_space<vmem>>) semaphore(%run_scoped3A_564 : memref<!tpu.dma_semaphore, #tpu.memory_space<semaphore_mem>>) {add = true}
        %dma_wait3A_571 = arith.constant 0 : i32
        %dma_wait3A_572 = tpu.memref_slice %arg7[%select_n3A_351, %run_scoped3A_352, %dma_wait3A_571] : memref<2x16x128xi32, #tpu.memory_space<vmem>> -> memref<1x1x128xi32, #tpu.memory_space<vmem>>
        %dma_wait3A_573 = tpu.memref_squeeze %dma_wait3A_572 : memref<1x1x128xi32, #tpu.memory_space<vmem>> -> memref<128xi32, #tpu.memory_space<vmem>>
        %dma_wait3A_574 = arith.constant 0 : i32
        %dma_wait3A_575 = arith.constant 0 : i32
        %dma_wait3A_576 = tpu.memref_slice %arg10[%dma_wait3A_574, %dma_wait3A_575] : memref<10240x128xf32, #tpu.memory_space<vmem_shared>> -> memref<10240x128xf32, #tpu.memory_space<vmem_shared>>
        tpu.wait_indirect_dma semaphore(%run_scoped3A_564 : memref<!tpu.dma_semaphore, #tpu.memory_space<semaphore_mem>>) src(%arg9 : memref<128x128xf32, #tpu.memory_space<vmem>>) dst(%dma_wait3A_576 : memref<10240x128xf32, #tpu.memory_space<vmem_shared>>)
        tpu.yield
      }) : () -> ()
      %mul3A_353 = arith.constant 16 : i32
      %mul3A_354 = arith.muli %scan3A_15, %mul3A_353 : i32
      %add3A_355 = arith.constant 10 : i32
      %add3A_356 = arith.addi %mul3A_354, %add3A_355 : i32
      %add3A_357 = arith.constant 1 : i32
      %add3A_358 = arith.addi %add3A_356, %add3A_357 : i32
      %lt3A_359 = arith.constant 80 : i32
      %lt3A_360 = arith.cmpi slt, %add3A_358, %lt3A_359 : i32
      %convert_element_type3A_361 = arith.extui %lt3A_360 : i1 to i32
      %cond3A_362 = arith.constant 0 : i32
      %cond3A_363 = arith.cmpi ne, %convert_element_type3A_361, %cond3A_362 : i32
      scf.if %cond3A_363 {
        %add3A_564 = arith.constant 1 : i32
        %add3A_565 = arith.addi %add3A_356, %add3A_564 : i32
        %dma_start3A_566 = arith.constant 0 : i32
        %dma_start3A_567 = tpu.memref_slice %arg6[%add3A_565, %dma_start3A_566] : memref<80x128xi32, #tpu.memory_space<vmem>> -> memref<1x128xi32, #tpu.memory_space<vmem>>
        %dma_start3A_568 = tpu.memref_squeeze %dma_start3A_567 : memref<1x128xi32, #tpu.memory_space<vmem>> -> memref<128xi32, #tpu.memory_space<vmem>>
        %dma_start3A_569 = arith.constant 0 : i32
        %dma_start3A_570 = arith.constant 0 : i32
        %dma_start3A_571 = tpu.memref_slice %arg2[%dma_start3A_569, %dma_start3A_570] : memref<45000x128xf32, #tpu.memory_space<hbm>> -> memref<45000x128xf32, #tpu.memory_space<hbm>>
        tpu.enqueue_indirect_dma source(%dma_start3A_571 : memref<45000x128xf32, #tpu.memory_space<hbm>>) target(%arg9 : memref<128x128xf32, #tpu.memory_space<vmem>>) offsets(%dma_start3A_568 : memref<128xi32, #tpu.memory_space<vmem>>) semaphore(%arg12 : memref<!tpu.dma_semaphore, #tpu.memory_space<semaphore_mem>>)
      } else {
      }
      %dma_wait3A_364 = arith.constant 0 : i32
      %dma_wait3A_365 = arith.constant 0 : i32
      %dma_wait3A_366 = tpu.memref_slice %arg2[%dma_wait3A_364, %dma_wait3A_365] : memref<45000x128xf32, #tpu.memory_space<hbm>> -> memref<128x128xf32, #tpu.memory_space<hbm>>
      %dma_wait3A_367 = arith.constant 0 : i32
      %dma_wait3A_368 = arith.constant 0 : i32
      %dma_wait3A_369 = tpu.memref_slice %arg2[%dma_wait3A_367, %dma_wait3A_368] : memref<45000x128xf32, #tpu.memory_space<hbm>> -> memref<128x128xf32, #tpu.memory_space<hbm>>
      tpu.wait_dma2 semaphore(%arg11 : memref<!tpu.dma_semaphore, #tpu.memory_space<semaphore_mem>>) src(%dma_wait3A_369 : memref<128x128xf32, #tpu.memory_space<hbm>>) dst(%arg8 : memref<128x128xf32, #tpu.memory_space<vmem>>)
      %jit3A_370 = arith.constant 2 : i32
      %eq3A_371 = arith.constant 0 : i32
      %eq3A_372 = arith.cmpi eq, %jit3A_370, %eq3A_371 : i32
      %jit3A_373 = arith.constant 1 : i32
      %select_n3A_374 = arith.select %eq3A_372, %jit3A_373, %jit3A_370 : i32
      %rem3A_375 = arith.remsi %scan3A_15, %select_n3A_374 : i32
      %ne3A_376 = arith.constant 0 : i32
      %ne3A_377 = arith.cmpi ne, %rem3A_375, %ne3A_376 : i32
      %lt3A_378 = arith.constant 0 : i32
      %lt3A_379 = arith.cmpi slt, %rem3A_375, %lt3A_378 : i32
      %lt3A_380 = arith.constant 0 : i32
      %lt3A_381 = arith.cmpi slt, %select_n3A_374, %lt3A_380 : i32
      %ne3A_382 = arith.xori %lt3A_379, %lt3A_381 : i1
      %and3A_383 = arith.andi %ne3A_382, %ne3A_377 : i1
      %add3A_384 = arith.addi %rem3A_375, %select_n3A_374 : i32
      %select_n3A_385 = arith.select %and3A_383, %add3A_384, %rem3A_375 : i32
      %run_scoped3A_386 = arith.constant 10 : i32
      "tpu.region"() ({
        %run_scoped3A_564 = tpu.sem_alloc : memref<!tpu.dma_semaphore, #tpu.memory_space<semaphore_mem>>
        %dma_start3A_565 = arith.constant 0 : i32
        %dma_start3A_566 = tpu.memref_slice %arg7[%select_n3A_385, %run_scoped3A_386, %dma_start3A_565] : memref<2x16x128xi32, #tpu.memory_space<vmem>> -> memref<1x1x128xi32, #tpu.memory_space<vmem>>
        %dma_start3A_567 = tpu.memref_squeeze %dma_start3A_566 : memref<1x1x128xi32, #tpu.memory_space<vmem>> -> memref<128xi32, #tpu.memory_space<vmem>>
        %dma_start3A_568 = arith.constant 0 : i32
        %dma_start3A_569 = arith.constant 0 : i32
        %dma_start3A_570 = tpu.memref_slice %arg10[%dma_start3A_568, %dma_start3A_569] : memref<10240x128xf32, #tpu.memory_space<vmem_shared>> -> memref<10240x128xf32, #tpu.memory_space<vmem_shared>>
        tpu.enqueue_indirect_dma source(%arg8 : memref<128x128xf32, #tpu.memory_space<vmem>>) target(%dma_start3A_570 : memref<10240x128xf32, #tpu.memory_space<vmem_shared>>) offsets(%dma_start3A_567 : memref<128xi32, #tpu.memory_space<vmem>>) semaphore(%run_scoped3A_564 : memref<!tpu.dma_semaphore, #tpu.memory_space<semaphore_mem>>) {add = true}
        %dma_wait3A_571 = arith.constant 0 : i32
        %dma_wait3A_572 = tpu.memref_slice %arg7[%select_n3A_385, %run_scoped3A_386, %dma_wait3A_571] : memref<2x16x128xi32, #tpu.memory_space<vmem>> -> memref<1x1x128xi32, #tpu.memory_space<vmem>>
        %dma_wait3A_573 = tpu.memref_squeeze %dma_wait3A_572 : memref<1x1x128xi32, #tpu.memory_space<vmem>> -> memref<128xi32, #tpu.memory_space<vmem>>
        %dma_wait3A_574 = arith.constant 0 : i32
        %dma_wait3A_575 = arith.constant 0 : i32
        %dma_wait3A_576 = tpu.memref_slice %arg10[%dma_wait3A_574, %dma_wait3A_575] : memref<10240x128xf32, #tpu.memory_space<vmem_shared>> -> memref<10240x128xf32, #tpu.memory_space<vmem_shared>>
        tpu.wait_indirect_dma semaphore(%run_scoped3A_564 : memref<!tpu.dma_semaphore, #tpu.memory_space<semaphore_mem>>) src(%arg8 : memref<128x128xf32, #tpu.memory_space<vmem>>) dst(%dma_wait3A_576 : memref<10240x128xf32, #tpu.memory_space<vmem_shared>>)
        tpu.yield
      }) : () -> ()
      %mul3A_387 = arith.constant 16 : i32
      %mul3A_388 = arith.muli %scan3A_15, %mul3A_387 : i32
      %add3A_389 = arith.constant 11 : i32
      %add3A_390 = arith.addi %mul3A_388, %add3A_389 : i32
      %add3A_391 = arith.constant 1 : i32
      %add3A_392 = arith.addi %add3A_390, %add3A_391 : i32
      %lt3A_393 = arith.constant 80 : i32
      %lt3A_394 = arith.cmpi slt, %add3A_392, %lt3A_393 : i32
      %convert_element_type3A_395 = arith.extui %lt3A_394 : i1 to i32
      %cond3A_396 = arith.constant 0 : i32
      %cond3A_397 = arith.cmpi ne, %convert_element_type3A_395, %cond3A_396 : i32
      scf.if %cond3A_397 {
        %add3A_564 = arith.constant 1 : i32
        %add3A_565 = arith.addi %add3A_390, %add3A_564 : i32
        %dma_start3A_566 = arith.constant 0 : i32
        %dma_start3A_567 = tpu.memref_slice %arg6[%add3A_565, %dma_start3A_566] : memref<80x128xi32, #tpu.memory_space<vmem>> -> memref<1x128xi32, #tpu.memory_space<vmem>>
        %dma_start3A_568 = tpu.memref_squeeze %dma_start3A_567 : memref<1x128xi32, #tpu.memory_space<vmem>> -> memref<128xi32, #tpu.memory_space<vmem>>
        %dma_start3A_569 = arith.constant 0 : i32
        %dma_start3A_570 = arith.constant 0 : i32
        %dma_start3A_571 = tpu.memref_slice %arg2[%dma_start3A_569, %dma_start3A_570] : memref<45000x128xf32, #tpu.memory_space<hbm>> -> memref<45000x128xf32, #tpu.memory_space<hbm>>
        tpu.enqueue_indirect_dma source(%dma_start3A_571 : memref<45000x128xf32, #tpu.memory_space<hbm>>) target(%arg8 : memref<128x128xf32, #tpu.memory_space<vmem>>) offsets(%dma_start3A_568 : memref<128xi32, #tpu.memory_space<vmem>>) semaphore(%arg11 : memref<!tpu.dma_semaphore, #tpu.memory_space<semaphore_mem>>)
      } else {
      }
      %dma_wait3A_398 = arith.constant 0 : i32
      %dma_wait3A_399 = arith.constant 0 : i32
      %dma_wait3A_400 = tpu.memref_slice %arg2[%dma_wait3A_398, %dma_wait3A_399] : memref<45000x128xf32, #tpu.memory_space<hbm>> -> memref<128x128xf32, #tpu.memory_space<hbm>>
      %dma_wait3A_401 = arith.constant 0 : i32
      %dma_wait3A_402 = arith.constant 0 : i32
      %dma_wait3A_403 = tpu.memref_slice %arg2[%dma_wait3A_401, %dma_wait3A_402] : memref<45000x128xf32, #tpu.memory_space<hbm>> -> memref<128x128xf32, #tpu.memory_space<hbm>>
      tpu.wait_dma2 semaphore(%arg12 : memref<!tpu.dma_semaphore, #tpu.memory_space<semaphore_mem>>) src(%dma_wait3A_403 : memref<128x128xf32, #tpu.memory_space<hbm>>) dst(%arg9 : memref<128x128xf32, #tpu.memory_space<vmem>>)
      %jit3A_404 = arith.constant 2 : i32
      %eq3A_405 = arith.constant 0 : i32
      %eq3A_406 = arith.cmpi eq, %jit3A_404, %eq3A_405 : i32
      %jit3A_407 = arith.constant 1 : i32
      %select_n3A_408 = arith.select %eq3A_406, %jit3A_407, %jit3A_404 : i32
      %rem3A_409 = arith.remsi %scan3A_15, %select_n3A_408 : i32
      %ne3A_410 = arith.constant 0 : i32
      %ne3A_411 = arith.cmpi ne, %rem3A_409, %ne3A_410 : i32
      %lt3A_412 = arith.constant 0 : i32
      %lt3A_413 = arith.cmpi slt, %rem3A_409, %lt3A_412 : i32
      %lt3A_414 = arith.constant 0 : i32
      %lt3A_415 = arith.cmpi slt, %select_n3A_408, %lt3A_414 : i32
      %ne3A_416 = arith.xori %lt3A_413, %lt3A_415 : i1
      %and3A_417 = arith.andi %ne3A_416, %ne3A_411 : i1
      %add3A_418 = arith.addi %rem3A_409, %select_n3A_408 : i32
      %select_n3A_419 = arith.select %and3A_417, %add3A_418, %rem3A_409 : i32
      %run_scoped3A_420 = arith.constant 11 : i32
      "tpu.region"() ({
        %run_scoped3A_564 = tpu.sem_alloc : memref<!tpu.dma_semaphore, #tpu.memory_space<semaphore_mem>>
        %dma_start3A_565 = arith.constant 0 : i32
        %dma_start3A_566 = tpu.memref_slice %arg7[%select_n3A_419, %run_scoped3A_420, %dma_start3A_565] : memref<2x16x128xi32, #tpu.memory_space<vmem>> -> memref<1x1x128xi32, #tpu.memory_space<vmem>>
        %dma_start3A_567 = tpu.memref_squeeze %dma_start3A_566 : memref<1x1x128xi32, #tpu.memory_space<vmem>> -> memref<128xi32, #tpu.memory_space<vmem>>
        %dma_start3A_568 = arith.constant 0 : i32
        %dma_start3A_569 = arith.constant 0 : i32
        %dma_start3A_570 = tpu.memref_slice %arg10[%dma_start3A_568, %dma_start3A_569] : memref<10240x128xf32, #tpu.memory_space<vmem_shared>> -> memref<10240x128xf32, #tpu.memory_space<vmem_shared>>
        tpu.enqueue_indirect_dma source(%arg9 : memref<128x128xf32, #tpu.memory_space<vmem>>) target(%dma_start3A_570 : memref<10240x128xf32, #tpu.memory_space<vmem_shared>>) offsets(%dma_start3A_567 : memref<128xi32, #tpu.memory_space<vmem>>) semaphore(%run_scoped3A_564 : memref<!tpu.dma_semaphore, #tpu.memory_space<semaphore_mem>>) {add = true}
        %dma_wait3A_571 = arith.constant 0 : i32
        %dma_wait3A_572 = tpu.memref_slice %arg7[%select_n3A_419, %run_scoped3A_420, %dma_wait3A_571] : memref<2x16x128xi32, #tpu.memory_space<vmem>> -> memref<1x1x128xi32, #tpu.memory_space<vmem>>
        %dma_wait3A_573 = tpu.memref_squeeze %dma_wait3A_572 : memref<1x1x128xi32, #tpu.memory_space<vmem>> -> memref<128xi32, #tpu.memory_space<vmem>>
        %dma_wait3A_574 = arith.constant 0 : i32
        %dma_wait3A_575 = arith.constant 0 : i32
        %dma_wait3A_576 = tpu.memref_slice %arg10[%dma_wait3A_574, %dma_wait3A_575] : memref<10240x128xf32, #tpu.memory_space<vmem_shared>> -> memref<10240x128xf32, #tpu.memory_space<vmem_shared>>
        tpu.wait_indirect_dma semaphore(%run_scoped3A_564 : memref<!tpu.dma_semaphore, #tpu.memory_space<semaphore_mem>>) src(%arg9 : memref<128x128xf32, #tpu.memory_space<vmem>>) dst(%dma_wait3A_576 : memref<10240x128xf32, #tpu.memory_space<vmem_shared>>)
        tpu.yield
      }) : () -> ()
      %mul3A_421 = arith.constant 16 : i32
      %mul3A_422 = arith.muli %scan3A_15, %mul3A_421 : i32
      %add3A_423 = arith.constant 12 : i32
      %add3A_424 = arith.addi %mul3A_422, %add3A_423 : i32
      %add3A_425 = arith.constant 1 : i32
      %add3A_426 = arith.addi %add3A_424, %add3A_425 : i32
      %lt3A_427 = arith.constant 80 : i32
      %lt3A_428 = arith.cmpi slt, %add3A_426, %lt3A_427 : i32
      %convert_element_type3A_429 = arith.extui %lt3A_428 : i1 to i32
      %cond3A_430 = arith.constant 0 : i32
      %cond3A_431 = arith.cmpi ne, %convert_element_type3A_429, %cond3A_430 : i32
      scf.if %cond3A_431 {
        %add3A_564 = arith.constant 1 : i32
        %add3A_565 = arith.addi %add3A_424, %add3A_564 : i32
        %dma_start3A_566 = arith.constant 0 : i32
        %dma_start3A_567 = tpu.memref_slice %arg6[%add3A_565, %dma_start3A_566] : memref<80x128xi32, #tpu.memory_space<vmem>> -> memref<1x128xi32, #tpu.memory_space<vmem>>
        %dma_start3A_568 = tpu.memref_squeeze %dma_start3A_567 : memref<1x128xi32, #tpu.memory_space<vmem>> -> memref<128xi32, #tpu.memory_space<vmem>>
        %dma_start3A_569 = arith.constant 0 : i32
        %dma_start3A_570 = arith.constant 0 : i32
        %dma_start3A_571 = tpu.memref_slice %arg2[%dma_start3A_569, %dma_start3A_570] : memref<45000x128xf32, #tpu.memory_space<hbm>> -> memref<45000x128xf32, #tpu.memory_space<hbm>>
        tpu.enqueue_indirect_dma source(%dma_start3A_571 : memref<45000x128xf32, #tpu.memory_space<hbm>>) target(%arg9 : memref<128x128xf32, #tpu.memory_space<vmem>>) offsets(%dma_start3A_568 : memref<128xi32, #tpu.memory_space<vmem>>) semaphore(%arg12 : memref<!tpu.dma_semaphore, #tpu.memory_space<semaphore_mem>>)
      } else {
      }
      %dma_wait3A_432 = arith.constant 0 : i32
      %dma_wait3A_433 = arith.constant 0 : i32
      %dma_wait3A_434 = tpu.memref_slice %arg2[%dma_wait3A_432, %dma_wait3A_433] : memref<45000x128xf32, #tpu.memory_space<hbm>> -> memref<128x128xf32, #tpu.memory_space<hbm>>
      %dma_wait3A_435 = arith.constant 0 : i32
      %dma_wait3A_436 = arith.constant 0 : i32
      %dma_wait3A_437 = tpu.memref_slice %arg2[%dma_wait3A_435, %dma_wait3A_436] : memref<45000x128xf32, #tpu.memory_space<hbm>> -> memref<128x128xf32, #tpu.memory_space<hbm>>
      tpu.wait_dma2 semaphore(%arg11 : memref<!tpu.dma_semaphore, #tpu.memory_space<semaphore_mem>>) src(%dma_wait3A_437 : memref<128x128xf32, #tpu.memory_space<hbm>>) dst(%arg8 : memref<128x128xf32, #tpu.memory_space<vmem>>)
      %jit3A_438 = arith.constant 2 : i32
      %eq3A_439 = arith.constant 0 : i32
      %eq3A_440 = arith.cmpi eq, %jit3A_438, %eq3A_439 : i32
      %jit3A_441 = arith.constant 1 : i32
      %select_n3A_442 = arith.select %eq3A_440, %jit3A_441, %jit3A_438 : i32
      %rem3A_443 = arith.remsi %scan3A_15, %select_n3A_442 : i32
      %ne3A_444 = arith.constant 0 : i32
      %ne3A_445 = arith.cmpi ne, %rem3A_443, %ne3A_444 : i32
      %lt3A_446 = arith.constant 0 : i32
      %lt3A_447 = arith.cmpi slt, %rem3A_443, %lt3A_446 : i32
      %lt3A_448 = arith.constant 0 : i32
      %lt3A_449 = arith.cmpi slt, %select_n3A_442, %lt3A_448 : i32
      %ne3A_450 = arith.xori %lt3A_447, %lt3A_449 : i1
      %and3A_451 = arith.andi %ne3A_450, %ne3A_445 : i1
      %add3A_452 = arith.addi %rem3A_443, %select_n3A_442 : i32
      %select_n3A_453 = arith.select %and3A_451, %add3A_452, %rem3A_443 : i32
      %run_scoped3A_454 = arith.constant 12 : i32
      "tpu.region"() ({
        %run_scoped3A_564 = tpu.sem_alloc : memref<!tpu.dma_semaphore, #tpu.memory_space<semaphore_mem>>
        %dma_start3A_565 = arith.constant 0 : i32
        %dma_start3A_566 = tpu.memref_slice %arg7[%select_n3A_453, %run_scoped3A_454, %dma_start3A_565] : memref<2x16x128xi32, #tpu.memory_space<vmem>> -> memref<1x1x128xi32, #tpu.memory_space<vmem>>
        %dma_start3A_567 = tpu.memref_squeeze %dma_start3A_566 : memref<1x1x128xi32, #tpu.memory_space<vmem>> -> memref<128xi32, #tpu.memory_space<vmem>>
        %dma_start3A_568 = arith.constant 0 : i32
        %dma_start3A_569 = arith.constant 0 : i32
        %dma_start3A_570 = tpu.memref_slice %arg10[%dma_start3A_568, %dma_start3A_569] : memref<10240x128xf32, #tpu.memory_space<vmem_shared>> -> memref<10240x128xf32, #tpu.memory_space<vmem_shared>>
        tpu.enqueue_indirect_dma source(%arg8 : memref<128x128xf32, #tpu.memory_space<vmem>>) target(%dma_start3A_570 : memref<10240x128xf32, #tpu.memory_space<vmem_shared>>) offsets(%dma_start3A_567 : memref<128xi32, #tpu.memory_space<vmem>>) semaphore(%run_scoped3A_564 : memref<!tpu.dma_semaphore, #tpu.memory_space<semaphore_mem>>) {add = true}
        %dma_wait3A_571 = arith.constant 0 : i32
        %dma_wait3A_572 = tpu.memref_slice %arg7[%select_n3A_453, %run_scoped3A_454, %dma_wait3A_571] : memref<2x16x128xi32, #tpu.memory_space<vmem>> -> memref<1x1x128xi32, #tpu.memory_space<vmem>>
        %dma_wait3A_573 = tpu.memref_squeeze %dma_wait3A_572 : memref<1x1x128xi32, #tpu.memory_space<vmem>> -> memref<128xi32, #tpu.memory_space<vmem>>
        %dma_wait3A_574 = arith.constant 0 : i32
        %dma_wait3A_575 = arith.constant 0 : i32
        %dma_wait3A_576 = tpu.memref_slice %arg10[%dma_wait3A_574, %dma_wait3A_575] : memref<10240x128xf32, #tpu.memory_space<vmem_shared>> -> memref<10240x128xf32, #tpu.memory_space<vmem_shared>>
        tpu.wait_indirect_dma semaphore(%run_scoped3A_564 : memref<!tpu.dma_semaphore, #tpu.memory_space<semaphore_mem>>) src(%arg8 : memref<128x128xf32, #tpu.memory_space<vmem>>) dst(%dma_wait3A_576 : memref<10240x128xf32, #tpu.memory_space<vmem_shared>>)
        tpu.yield
      }) : () -> ()
      %mul3A_455 = arith.constant 16 : i32
      %mul3A_456 = arith.muli %scan3A_15, %mul3A_455 : i32
      %add3A_457 = arith.constant 13 : i32
      %add3A_458 = arith.addi %mul3A_456, %add3A_457 : i32
      %add3A_459 = arith.constant 1 : i32
      %add3A_460 = arith.addi %add3A_458, %add3A_459 : i32
      %lt3A_461 = arith.constant 80 : i32
      %lt3A_462 = arith.cmpi slt, %add3A_460, %lt3A_461 : i32
      %convert_element_type3A_463 = arith.extui %lt3A_462 : i1 to i32
      %cond3A_464 = arith.constant 0 : i32
      %cond3A_465 = arith.cmpi ne, %convert_element_type3A_463, %cond3A_464 : i32
      scf.if %cond3A_465 {
        %add3A_564 = arith.constant 1 : i32
        %add3A_565 = arith.addi %add3A_458, %add3A_564 : i32
        %dma_start3A_566 = arith.constant 0 : i32
        %dma_start3A_567 = tpu.memref_slice %arg6[%add3A_565, %dma_start3A_566] : memref<80x128xi32, #tpu.memory_space<vmem>> -> memref<1x128xi32, #tpu.memory_space<vmem>>
        %dma_start3A_568 = tpu.memref_squeeze %dma_start3A_567 : memref<1x128xi32, #tpu.memory_space<vmem>> -> memref<128xi32, #tpu.memory_space<vmem>>
        %dma_start3A_569 = arith.constant 0 : i32
        %dma_start3A_570 = arith.constant 0 : i32
        %dma_start3A_571 = tpu.memref_slice %arg2[%dma_start3A_569, %dma_start3A_570] : memref<45000x128xf32, #tpu.memory_space<hbm>> -> memref<45000x128xf32, #tpu.memory_space<hbm>>
        tpu.enqueue_indirect_dma source(%dma_start3A_571 : memref<45000x128xf32, #tpu.memory_space<hbm>>) target(%arg8 : memref<128x128xf32, #tpu.memory_space<vmem>>) offsets(%dma_start3A_568 : memref<128xi32, #tpu.memory_space<vmem>>) semaphore(%arg11 : memref<!tpu.dma_semaphore, #tpu.memory_space<semaphore_mem>>)
      } else {
      }
      %dma_wait3A_466 = arith.constant 0 : i32
      %dma_wait3A_467 = arith.constant 0 : i32
      %dma_wait3A_468 = tpu.memref_slice %arg2[%dma_wait3A_466, %dma_wait3A_467] : memref<45000x128xf32, #tpu.memory_space<hbm>> -> memref<128x128xf32, #tpu.memory_space<hbm>>
      %dma_wait3A_469 = arith.constant 0 : i32
      %dma_wait3A_470 = arith.constant 0 : i32
      %dma_wait3A_471 = tpu.memref_slice %arg2[%dma_wait3A_469, %dma_wait3A_470] : memref<45000x128xf32, #tpu.memory_space<hbm>> -> memref<128x128xf32, #tpu.memory_space<hbm>>
      tpu.wait_dma2 semaphore(%arg12 : memref<!tpu.dma_semaphore, #tpu.memory_space<semaphore_mem>>) src(%dma_wait3A_471 : memref<128x128xf32, #tpu.memory_space<hbm>>) dst(%arg9 : memref<128x128xf32, #tpu.memory_space<vmem>>)
      %jit3A_472 = arith.constant 2 : i32
      %eq3A_473 = arith.constant 0 : i32
      %eq3A_474 = arith.cmpi eq, %jit3A_472, %eq3A_473 : i32
      %jit3A_475 = arith.constant 1 : i32
      %select_n3A_476 = arith.select %eq3A_474, %jit3A_475, %jit3A_472 : i32
      %rem3A_477 = arith.remsi %scan3A_15, %select_n3A_476 : i32
      %ne3A_478 = arith.constant 0 : i32
      %ne3A_479 = arith.cmpi ne, %rem3A_477, %ne3A_478 : i32
      %lt3A_480 = arith.constant 0 : i32
      %lt3A_481 = arith.cmpi slt, %rem3A_477, %lt3A_480 : i32
      %lt3A_482 = arith.constant 0 : i32
      %lt3A_483 = arith.cmpi slt, %select_n3A_476, %lt3A_482 : i32
      %ne3A_484 = arith.xori %lt3A_481, %lt3A_483 : i1
      %and3A_485 = arith.andi %ne3A_484, %ne3A_479 : i1
      %add3A_486 = arith.addi %rem3A_477, %select_n3A_476 : i32
      %select_n3A_487 = arith.select %and3A_485, %add3A_486, %rem3A_477 : i32
      %run_scoped3A_488 = arith.constant 13 : i32
      "tpu.region"() ({
        %run_scoped3A_564 = tpu.sem_alloc : memref<!tpu.dma_semaphore, #tpu.memory_space<semaphore_mem>>
        %dma_start3A_565 = arith.constant 0 : i32
        %dma_start3A_566 = tpu.memref_slice %arg7[%select_n3A_487, %run_scoped3A_488, %dma_start3A_565] : memref<2x16x128xi32, #tpu.memory_space<vmem>> -> memref<1x1x128xi32, #tpu.memory_space<vmem>>
        %dma_start3A_567 = tpu.memref_squeeze %dma_start3A_566 : memref<1x1x128xi32, #tpu.memory_space<vmem>> -> memref<128xi32, #tpu.memory_space<vmem>>
        %dma_start3A_568 = arith.constant 0 : i32
        %dma_start3A_569 = arith.constant 0 : i32
        %dma_start3A_570 = tpu.memref_slice %arg10[%dma_start3A_568, %dma_start3A_569] : memref<10240x128xf32, #tpu.memory_space<vmem_shared>> -> memref<10240x128xf32, #tpu.memory_space<vmem_shared>>
        tpu.enqueue_indirect_dma source(%arg9 : memref<128x128xf32, #tpu.memory_space<vmem>>) target(%dma_start3A_570 : memref<10240x128xf32, #tpu.memory_space<vmem_shared>>) offsets(%dma_start3A_567 : memref<128xi32, #tpu.memory_space<vmem>>) semaphore(%run_scoped3A_564 : memref<!tpu.dma_semaphore, #tpu.memory_space<semaphore_mem>>) {add = true}
        %dma_wait3A_571 = arith.constant 0 : i32
        %dma_wait3A_572 = tpu.memref_slice %arg7[%select_n3A_487, %run_scoped3A_488, %dma_wait3A_571] : memref<2x16x128xi32, #tpu.memory_space<vmem>> -> memref<1x1x128xi32, #tpu.memory_space<vmem>>
        %dma_wait3A_573 = tpu.memref_squeeze %dma_wait3A_572 : memref<1x1x128xi32, #tpu.memory_space<vmem>> -> memref<128xi32, #tpu.memory_space<vmem>>
        %dma_wait3A_574 = arith.constant 0 : i32
        %dma_wait3A_575 = arith.constant 0 : i32
        %dma_wait3A_576 = tpu.memref_slice %arg10[%dma_wait3A_574, %dma_wait3A_575] : memref<10240x128xf32, #tpu.memory_space<vmem_shared>> -> memref<10240x128xf32, #tpu.memory_space<vmem_shared>>
        tpu.wait_indirect_dma semaphore(%run_scoped3A_564 : memref<!tpu.dma_semaphore, #tpu.memory_space<semaphore_mem>>) src(%arg9 : memref<128x128xf32, #tpu.memory_space<vmem>>) dst(%dma_wait3A_576 : memref<10240x128xf32, #tpu.memory_space<vmem_shared>>)
        tpu.yield
      }) : () -> ()
      %mul3A_489 = arith.constant 16 : i32
      %mul3A_490 = arith.muli %scan3A_15, %mul3A_489 : i32
      %add3A_491 = arith.constant 14 : i32
      %add3A_492 = arith.addi %mul3A_490, %add3A_491 : i32
      %add3A_493 = arith.constant 1 : i32
      %add3A_494 = arith.addi %add3A_492, %add3A_493 : i32
      %lt3A_495 = arith.constant 80 : i32
      %lt3A_496 = arith.cmpi slt, %add3A_494, %lt3A_495 : i32
      %convert_element_type3A_497 = arith.extui %lt3A_496 : i1 to i32
      %cond3A_498 = arith.constant 0 : i32
      %cond3A_499 = arith.cmpi ne, %convert_element_type3A_497, %cond3A_498 : i32
      scf.if %cond3A_499 {
        %add3A_564 = arith.constant 1 : i32
        %add3A_565 = arith.addi %add3A_492, %add3A_564 : i32
        %dma_start3A_566 = arith.constant 0 : i32
        %dma_start3A_567 = tpu.memref_slice %arg6[%add3A_565, %dma_start3A_566] : memref<80x128xi32, #tpu.memory_space<vmem>> -> memref<1x128xi32, #tpu.memory_space<vmem>>
        %dma_start3A_568 = tpu.memref_squeeze %dma_start3A_567 : memref<1x128xi32, #tpu.memory_space<vmem>> -> memref<128xi32, #tpu.memory_space<vmem>>
        %dma_start3A_569 = arith.constant 0 : i32
        %dma_start3A_570 = arith.constant 0 : i32
        %dma_start3A_571 = tpu.memref_slice %arg2[%dma_start3A_569, %dma_start3A_570] : memref<45000x128xf32, #tpu.memory_space<hbm>> -> memref<45000x128xf32, #tpu.memory_space<hbm>>
        tpu.enqueue_indirect_dma source(%dma_start3A_571 : memref<45000x128xf32, #tpu.memory_space<hbm>>) target(%arg9 : memref<128x128xf32, #tpu.memory_space<vmem>>) offsets(%dma_start3A_568 : memref<128xi32, #tpu.memory_space<vmem>>) semaphore(%arg12 : memref<!tpu.dma_semaphore, #tpu.memory_space<semaphore_mem>>)
      } else {
      }
      %dma_wait3A_500 = arith.constant 0 : i32
      %dma_wait3A_501 = arith.constant 0 : i32
      %dma_wait3A_502 = tpu.memref_slice %arg2[%dma_wait3A_500, %dma_wait3A_501] : memref<45000x128xf32, #tpu.memory_space<hbm>> -> memref<128x128xf32, #tpu.memory_space<hbm>>
      %dma_wait3A_503 = arith.constant 0 : i32
      %dma_wait3A_504 = arith.constant 0 : i32
      %dma_wait3A_505 = tpu.memref_slice %arg2[%dma_wait3A_503, %dma_wait3A_504] : memref<45000x128xf32, #tpu.memory_space<hbm>> -> memref<128x128xf32, #tpu.memory_space<hbm>>
      tpu.wait_dma2 semaphore(%arg11 : memref<!tpu.dma_semaphore, #tpu.memory_space<semaphore_mem>>) src(%dma_wait3A_505 : memref<128x128xf32, #tpu.memory_space<hbm>>) dst(%arg8 : memref<128x128xf32, #tpu.memory_space<vmem>>)
      %jit3A_506 = arith.constant 2 : i32
      %eq3A_507 = arith.constant 0 : i32
      %eq3A_508 = arith.cmpi eq, %jit3A_506, %eq3A_507 : i32
      %jit3A_509 = arith.constant 1 : i32
      %select_n3A_510 = arith.select %eq3A_508, %jit3A_509, %jit3A_506 : i32
      %rem3A_511 = arith.remsi %scan3A_15, %select_n3A_510 : i32
      %ne3A_512 = arith.constant 0 : i32
      %ne3A_513 = arith.cmpi ne, %rem3A_511, %ne3A_512 : i32
      %lt3A_514 = arith.constant 0 : i32
      %lt3A_515 = arith.cmpi slt, %rem3A_511, %lt3A_514 : i32
      %lt3A_516 = arith.constant 0 : i32
      %lt3A_517 = arith.cmpi slt, %select_n3A_510, %lt3A_516 : i32
      %ne3A_518 = arith.xori %lt3A_515, %lt3A_517 : i1
      %and3A_519 = arith.andi %ne3A_518, %ne3A_513 : i1
      %add3A_520 = arith.addi %rem3A_511, %select_n3A_510 : i32
      %select_n3A_521 = arith.select %and3A_519, %add3A_520, %rem3A_511 : i32
      %run_scoped3A_522 = arith.constant 14 : i32
      "tpu.region"() ({
        %run_scoped3A_564 = tpu.sem_alloc : memref<!tpu.dma_semaphore, #tpu.memory_space<semaphore_mem>>
        %dma_start3A_565 = arith.constant 0 : i32
        %dma_start3A_566 = tpu.memref_slice %arg7[%select_n3A_521, %run_scoped3A_522, %dma_start3A_565] : memref<2x16x128xi32, #tpu.memory_space<vmem>> -> memref<1x1x128xi32, #tpu.memory_space<vmem>>
        %dma_start3A_567 = tpu.memref_squeeze %dma_start3A_566 : memref<1x1x128xi32, #tpu.memory_space<vmem>> -> memref<128xi32, #tpu.memory_space<vmem>>
        %dma_start3A_568 = arith.constant 0 : i32
        %dma_start3A_569 = arith.constant 0 : i32
        %dma_start3A_570 = tpu.memref_slice %arg10[%dma_start3A_568, %dma_start3A_569] : memref<10240x128xf32, #tpu.memory_space<vmem_shared>> -> memref<10240x128xf32, #tpu.memory_space<vmem_shared>>
        tpu.enqueue_indirect_dma source(%arg8 : memref<128x128xf32, #tpu.memory_space<vmem>>) target(%dma_start3A_570 : memref<10240x128xf32, #tpu.memory_space<vmem_shared>>) offsets(%dma_start3A_567 : memref<128xi32, #tpu.memory_space<vmem>>) semaphore(%run_scoped3A_564 : memref<!tpu.dma_semaphore, #tpu.memory_space<semaphore_mem>>) {add = true}
        %dma_wait3A_571 = arith.constant 0 : i32
        %dma_wait3A_572 = tpu.memref_slice %arg7[%select_n3A_521, %run_scoped3A_522, %dma_wait3A_571] : memref<2x16x128xi32, #tpu.memory_space<vmem>> -> memref<1x1x128xi32, #tpu.memory_space<vmem>>
        %dma_wait3A_573 = tpu.memref_squeeze %dma_wait3A_572 : memref<1x1x128xi32, #tpu.memory_space<vmem>> -> memref<128xi32, #tpu.memory_space<vmem>>
        %dma_wait3A_574 = arith.constant 0 : i32
        %dma_wait3A_575 = arith.constant 0 : i32
        %dma_wait3A_576 = tpu.memref_slice %arg10[%dma_wait3A_574, %dma_wait3A_575] : memref<10240x128xf32, #tpu.memory_space<vmem_shared>> -> memref<10240x128xf32, #tpu.memory_space<vmem_shared>>
        tpu.wait_indirect_dma semaphore(%run_scoped3A_564 : memref<!tpu.dma_semaphore, #tpu.memory_space<semaphore_mem>>) src(%arg8 : memref<128x128xf32, #tpu.memory_space<vmem>>) dst(%dma_wait3A_576 : memref<10240x128xf32, #tpu.memory_space<vmem_shared>>)
        tpu.yield
      }) : () -> ()
      %mul3A_523 = arith.constant 16 : i32
      %mul3A_524 = arith.muli %scan3A_15, %mul3A_523 : i32
      %add3A_525 = arith.constant 15 : i32
      %add3A_526 = arith.addi %mul3A_524, %add3A_525 : i32
      %add3A_527 = arith.constant 1 : i32
      %add3A_528 = arith.addi %add3A_526, %add3A_527 : i32
      %lt3A_529 = arith.constant 80 : i32
      %lt3A_530 = arith.cmpi slt, %add3A_528, %lt3A_529 : i32
      %convert_element_type3A_531 = arith.extui %lt3A_530 : i1 to i32
      %cond3A_532 = arith.constant 0 : i32
      %cond3A_533 = arith.cmpi ne, %convert_element_type3A_531, %cond3A_532 : i32
      scf.if %cond3A_533 {
        %add3A_564 = arith.constant 1 : i32
        %add3A_565 = arith.addi %add3A_526, %add3A_564 : i32
        %dma_start3A_566 = arith.constant 0 : i32
        %dma_start3A_567 = tpu.memref_slice %arg6[%add3A_565, %dma_start3A_566] : memref<80x128xi32, #tpu.memory_space<vmem>> -> memref<1x128xi32, #tpu.memory_space<vmem>>
        %dma_start3A_568 = tpu.memref_squeeze %dma_start3A_567 : memref<1x128xi32, #tpu.memory_space<vmem>> -> memref<128xi32, #tpu.memory_space<vmem>>
        %dma_start3A_569 = arith.constant 0 : i32
        %dma_start3A_570 = arith.constant 0 : i32
        %dma_start3A_571 = tpu.memref_slice %arg2[%dma_start3A_569, %dma_start3A_570] : memref<45000x128xf32, #tpu.memory_space<hbm>> -> memref<45000x128xf32, #tpu.memory_space<hbm>>
        tpu.enqueue_indirect_dma source(%dma_start3A_571 : memref<45000x128xf32, #tpu.memory_space<hbm>>) target(%arg8 : memref<128x128xf32, #tpu.memory_space<vmem>>) offsets(%dma_start3A_568 : memref<128xi32, #tpu.memory_space<vmem>>) semaphore(%arg11 : memref<!tpu.dma_semaphore, #tpu.memory_space<semaphore_mem>>)
      } else {
      }
      %dma_wait3A_534 = arith.constant 0 : i32
      %dma_wait3A_535 = arith.constant 0 : i32
      %dma_wait3A_536 = tpu.memref_slice %arg2[%dma_wait3A_534, %dma_wait3A_535] : memref<45000x128xf32, #tpu.memory_space<hbm>> -> memref<128x128xf32, #tpu.memory_space<hbm>>
      %dma_wait3A_537 = arith.constant 0 : i32
      %dma_wait3A_538 = arith.constant 0 : i32
      %dma_wait3A_539 = tpu.memref_slice %arg2[%dma_wait3A_537, %dma_wait3A_538] : memref<45000x128xf32, #tpu.memory_space<hbm>> -> memref<128x128xf32, #tpu.memory_space<hbm>>
      tpu.wait_dma2 semaphore(%arg12 : memref<!tpu.dma_semaphore, #tpu.memory_space<semaphore_mem>>) src(%dma_wait3A_539 : memref<128x128xf32, #tpu.memory_space<hbm>>) dst(%arg9 : memref<128x128xf32, #tpu.memory_space<vmem>>)
      %jit3A_540 = arith.constant 2 : i32
      %eq3A_541 = arith.constant 0 : i32
      %eq3A_542 = arith.cmpi eq, %jit3A_540, %eq3A_541 : i32
      %jit3A_543 = arith.constant 1 : i32
      %select_n3A_544 = arith.select %eq3A_542, %jit3A_543, %jit3A_540 : i32
      %rem3A_545 = arith.remsi %scan3A_15, %select_n3A_544 : i32
      %ne3A_546 = arith.constant 0 : i32
      %ne3A_547 = arith.cmpi ne, %rem3A_545, %ne3A_546 : i32
      %lt3A_548 = arith.constant 0 : i32
      %lt3A_549 = arith.cmpi slt, %rem3A_545, %lt3A_548 : i32
      %lt3A_550 = arith.constant 0 : i32
      %lt3A_551 = arith.cmpi slt, %select_n3A_544, %lt3A_550 : i32
      %ne3A_552 = arith.xori %lt3A_549, %lt3A_551 : i1
      %and3A_553 = arith.andi %ne3A_552, %ne3A_547 : i1
      %add3A_554 = arith.addi %rem3A_545, %select_n3A_544 : i32
      %select_n3A_555 = arith.select %and3A_553, %add3A_554, %rem3A_545 : i32
      %run_scoped3A_556 = arith.constant 15 : i32
      "tpu.region"() ({
        %run_scoped3A_564 = tpu.sem_alloc : memref<!tpu.dma_semaphore, #tpu.memory_space<semaphore_mem>>
        %dma_start3A_565 = arith.constant 0 : i32
        %dma_start3A_566 = tpu.memref_slice %arg7[%select_n3A_555, %run_scoped3A_556, %dma_start3A_565] : memref<2x16x128xi32, #tpu.memory_space<vmem>> -> memref<1x1x128xi32, #tpu.memory_space<vmem>>
        %dma_start3A_567 = tpu.memref_squeeze %dma_start3A_566 : memref<1x1x128xi32, #tpu.memory_space<vmem>> -> memref<128xi32, #tpu.memory_space<vmem>>
        %dma_start3A_568 = arith.constant 0 : i32
        %dma_start3A_569 = arith.constant 0 : i32
        %dma_start3A_570 = tpu.memref_slice %arg10[%dma_start3A_568, %dma_start3A_569] : memref<10240x128xf32, #tpu.memory_space<vmem_shared>> -> memref<10240x128xf32, #tpu.memory_space<vmem_shared>>
        tpu.enqueue_indirect_dma source(%arg9 : memref<128x128xf32, #tpu.memory_space<vmem>>) target(%dma_start3A_570 : memref<10240x128xf32, #tpu.memory_space<vmem_shared>>) offsets(%dma_start3A_567 : memref<128xi32, #tpu.memory_space<vmem>>) semaphore(%run_scoped3A_564 : memref<!tpu.dma_semaphore, #tpu.memory_space<semaphore_mem>>) {add = true}
        %dma_wait3A_571 = arith.constant 0 : i32
        %dma_wait3A_572 = tpu.memref_slice %arg7[%select_n3A_555, %run_scoped3A_556, %dma_wait3A_571] : memref<2x16x128xi32, #tpu.memory_space<vmem>> -> memref<1x1x128xi32, #tpu.memory_space<vmem>>
        %dma_wait3A_573 = tpu.memref_squeeze %dma_wait3A_572 : memref<1x1x128xi32, #tpu.memory_space<vmem>> -> memref<128xi32, #tpu.memory_space<vmem>>
        %dma_wait3A_574 = arith.constant 0 : i32
        %dma_wait3A_575 = arith.constant 0 : i32
        %dma_wait3A_576 = tpu.memref_slice %arg10[%dma_wait3A_574, %dma_wait3A_575] : memref<10240x128xf32, #tpu.memory_space<vmem_shared>> -> memref<10240x128xf32, #tpu.memory_space<vmem_shared>>
        tpu.wait_indirect_dma semaphore(%run_scoped3A_564 : memref<!tpu.dma_semaphore, #tpu.memory_space<semaphore_mem>>) src(%arg9 : memref<128x128xf32, #tpu.memory_space<vmem>>) dst(%dma_wait3A_576 : memref<10240x128xf32, #tpu.memory_space<vmem_shared>>)
        tpu.yield
      }) : () -> ()
      %add3A_557 = arith.constant 1 : i32
      %add3A_558 = arith.addi %scan3A_15, %add3A_557 : i32
      %lt3A_559 = arith.constant 5 : i32
      %lt3A_560 = arith.cmpi slt, %add3A_558, %lt3A_559 : i32
      %convert_element_type3A_561 = arith.extui %lt3A_560 : i1 to i32
      %cond3A_562 = arith.constant 0 : i32
      %cond3A_563 = arith.cmpi ne, %convert_element_type3A_561, %cond3A_562 : i32
      scf.if %cond3A_563 {
        %add3A_564 = arith.constant 1 : i32
        %add3A_565 = arith.addi %scan3A_15, %add3A_564 : i32
        %jit3A_566 = arith.constant 2 : i32
        %eq3A_567 = arith.constant 0 : i32
        %eq3A_568 = arith.cmpi eq, %jit3A_566, %eq3A_567 : i32
        %jit3A_569 = arith.constant 1 : i32
        %select_n3A_570 = arith.select %eq3A_568, %jit3A_569, %jit3A_566 : i32
        %rem3A_571 = arith.remsi %add3A_565, %select_n3A_570 : i32
        %ne3A_572 = arith.constant 0 : i32
        %ne3A_573 = arith.cmpi ne, %rem3A_571, %ne3A_572 : i32
        %lt3A_574 = arith.constant 0 : i32
        %lt3A_575 = arith.cmpi slt, %rem3A_571, %lt3A_574 : i32
        %lt3A_576 = arith.constant 0 : i32
        %lt3A_577 = arith.cmpi slt, %select_n3A_570, %lt3A_576 : i32
        %ne3A_578 = arith.xori %lt3A_575, %lt3A_577 : i1
        %and3A_579 = arith.andi %ne3A_578, %ne3A_573 : i1
        %add3A_580 = arith.addi %rem3A_571, %select_n3A_570 : i32
        %select_n3A_581 = arith.select %and3A_579, %add3A_580, %rem3A_571 : i32
        %dma_wait3A_582 = arith.constant 0 : i32
        %dma_wait3A_583 = arith.constant 0 : i32
        %dma_wait3A_584 = tpu.memref_slice %arg7[%select_n3A_581, %dma_wait3A_582, %dma_wait3A_583] : memref<2x16x128xi32, #tpu.memory_space<vmem>> -> memref<1x16x128xi32, #tpu.memory_space<vmem>>
        %dma_wait3A_585 = tpu.memref_squeeze %dma_wait3A_584 : memref<1x16x128xi32, #tpu.memory_space<vmem>> -> memref<16x128xi32, #tpu.memory_space<vmem>>
        %dma_wait3A_586 = arith.constant 0 : i32
        %dma_wait3A_587 = arith.constant 0 : i32
        %dma_wait3A_588 = tpu.memref_slice %arg4[%add3A, %dma_wait3A_586, %dma_wait3A_587] : memref<32x80x128xi32, #tpu.memory_space<hbm>> -> memref<1x16x128xi32, #tpu.memory_space<hbm>>
        %dma_wait3A_589 = tpu.memref_squeeze %dma_wait3A_588 : memref<1x16x128xi32, #tpu.memory_space<hbm>> -> memref<16x128xi32, #tpu.memory_space<hbm>>
        %dma_wait3A_590 = arith.constant 0 : i32
        %dma_wait3A_591 = arith.constant 0 : i32
        %dma_wait3A_592 = tpu.memref_slice %arg7[%select_n3A_581, %dma_wait3A_590, %dma_wait3A_591] : memref<2x16x128xi32, #tpu.memory_space<vmem>> -> memref<1x16x128xi32, #tpu.memory_space<vmem>>
        %dma_wait3A_593 = tpu.memref_squeeze %dma_wait3A_592 : memref<1x16x128xi32, #tpu.memory_space<vmem>> -> memref<16x128xi32, #tpu.memory_space<vmem>>
        %dma_wait3A_594 = arith.constant 0 : i32
        %dma_wait3A_595 = arith.constant 0 : i32
        %dma_wait3A_596 = tpu.memref_slice %arg4[%add3A, %dma_wait3A_594, %dma_wait3A_595] : memref<32x80x128xi32, #tpu.memory_space<hbm>> -> memref<1x16x128xi32, #tpu.memory_space<hbm>>
        %dma_wait3A_597 = tpu.memref_squeeze %dma_wait3A_596 : memref<1x16x128xi32, #tpu.memory_space<hbm>> -> memref<16x128xi32, #tpu.memory_space<hbm>>
        tpu.wait_dma2 semaphore(%arg13 : memref<!tpu.dma_semaphore, #tpu.memory_space<semaphore_mem>>) src(%dma_wait3A_597 : memref<16x128xi32, #tpu.memory_space<hbm>>) dst(%dma_wait3A_593 : memref<16x128xi32, #tpu.memory_space<vmem>>)
      } else {
      }
    }
    %scan3A_13 = arith.constant 5 : i32
    %barrier3A_14 = arith.constant 0 : index
    tpu.barrier barrier_id(%barrier3A_14)
    "tpu.region"() ({
      %run_scoped3A_15 = tpu.sem_alloc : memref<!tpu.dma_semaphore, #tpu.memory_space<semaphore_mem>>
      %dma_start3A_16 = arith.constant 0 : i32
      %dma_start3A_17 = tpu.memref_slice %arg5[%arg0, %mul3A_2, %dma_start3A_16] : memref<2x10240x128xf32, #tpu.memory_space<hbm>> -> memref<1x640x128xf32, #tpu.memory_space<hbm>>
      %dma_start3A_18 = tpu.memref_squeeze %dma_start3A_17 : memref<1x640x128xf32, #tpu.memory_space<hbm>> -> memref<640x128xf32, #tpu.memory_space<hbm>>
      %dma_start3A_19 = arith.constant 0 : i32
      %dma_start3A_20 = tpu.memref_slice %arg10[%mul3A_2, %dma_start3A_19] : memref<10240x128xf32, #tpu.memory_space<vmem_shared>> -> memref<640x128xf32, #tpu.memory_space<vmem_shared>>
      tpu.enqueue_dma source(%dma_start3A_20 : memref<640x128xf32, #tpu.memory_space<vmem_shared>>) target(%dma_start3A_18 : memref<640x128xf32, #tpu.memory_space<hbm>>) target_semaphore(%run_scoped3A_15 : memref<!tpu.dma_semaphore, #tpu.memory_space<semaphore_mem>>)
      %dma_wait3A = arith.constant 0 : i32
      %dma_wait3A_21 = tpu.memref_slice %arg5[%arg0, %mul3A_2, %dma_wait3A] : memref<2x10240x128xf32, #tpu.memory_space<hbm>> -> memref<1x640x128xf32, #tpu.memory_space<hbm>>
      %dma_wait3A_22 = tpu.memref_squeeze %dma_wait3A_21 : memref<1x640x128xf32, #tpu.memory_space<hbm>> -> memref<640x128xf32, #tpu.memory_space<hbm>>
      %dma_wait3A_23 = arith.constant 0 : i32
      %dma_wait3A_24 = tpu.memref_slice %arg10[%mul3A_2, %dma_wait3A_23] : memref<10240x128xf32, #tpu.memory_space<vmem_shared>> -> memref<640x128xf32, #tpu.memory_space<vmem_shared>>
      tpu.wait_dma2 semaphore(%run_scoped3A_15 : memref<!tpu.dma_semaphore, #tpu.memory_space<semaphore_mem>>) src(%dma_wait3A_24 : memref<640x128xf32, #tpu.memory_space<vmem_shared>>) dst(%dma_wait3A_22 : memref<640x128xf32, #tpu.memory_space<hbm>>)
      tpu.yield
    }) : () -> ()
    return
  }
}

module attributes {stable_mosaic.version = 14 : i64} {
  func.func @_mm_body(%arg0: i32, %arg1: i32, %arg2: memref<5000x128xf32, #tpu.memory_space<vmem>>, %arg3: memref<128x128xf32, #tpu.memory_space<vmem>>, %arg4: memref<1x1x128xf32, #tpu.memory_space<vmem>>, %arg5: memref<5000x128xf32, #tpu.memory_space<vmem>>) attributes {dimension_semantics = [#tpu.dimension_semantics<arbitrary>, #tpu.dimension_semantics<arbitrary>], iteration_bounds = array<i64: 3, 4>, scalar_prefetch = 0 : i64, scratch_operands = 0 : i64, tpu.core_type = #tpu.core_type<tc>, window_params = [{transform_indices = @transform_0, window_bounds = array<i64: 5000, 128>}, {transform_indices = @transform_1, window_bounds = array<i64: 128, 128>}, {transform_indices = @transform_2, window_bounds = array<i64: 1, 1, 128>}, {transform_indices = @transform_3, window_bounds = array<i64: 5000, 128>}]} {
    %lt3A = arith.constant 2 : i32
    %lt3A_0 = arith.cmpi slt, %arg0, %lt3A : i32
    %convert_element_type3A = arith.extui %lt3A_0 : i1 to i32
    %cond3A = arith.constant 0 : i32
    %cond3A_1 = arith.cmpi ne, %convert_element_type3A, %cond3A : i32
    scf.if %cond3A_1 {
      %get3A = arith.constant 0 : index
      %get3A_6 = arith.constant 0 : index
      %get3A_7 = vector.load %arg2[%get3A, %get3A_6] : memref<5000x128xf32, #tpu.memory_space<vmem>>, vector<5000x128xf32>
      %get3A_8 = arith.constant 0 : index
      %get3A_9 = arith.constant 0 : index
      %get3A_10 = vector.load %arg3[%get3A_8, %get3A_9] : memref<128x128xf32, #tpu.memory_space<vmem>>, vector<128x128xf32>
      %dot_general3A = arith.constant dense<0.000000e+00> : vector<5000x128xf32>
      %dot_general3A_11 = tpu.matmul %get3A_7, %get3A_10, %dot_general3A {dimension_numbers = #tpu.dot_dimension_numbers<[1], [1], [0], [0], [0, 0, 1, 0], [], []>, transpose_lhs_hint = false} : vector<5000x128xf32>, vector<128x128xf32>, vector<5000x128xf32> -> vector<5000x128xf32>
      %get3A_12 = arith.constant 0 : index
      %get3A_13 = arith.constant 0 : index
      %get3A_14 = arith.constant 0 : index
      %get3A_15 = vector.load %arg4[%get3A_12, %get3A_13, %get3A_14] : memref<1x1x128xf32, #tpu.memory_space<vmem>>, vector<1x1x128xf32>
      %get3A_16 = vector.shape_cast %get3A_15 : vector<1x1x128xf32> to vector<1x128xf32>
      %add3A = vector.broadcast %get3A_16 : vector<1x128xf32> to vector<5000x128xf32>
      %add3A_17 = arith.addf %dot_general3A_11, %add3A : vector<5000x128xf32>
      %swap3A = arith.constant 0 : index
      %swap3A_18 = arith.constant 0 : index
      %swap3A_19 = vector.load %arg5[%swap3A, %swap3A_18] : memref<5000x128xf32, #tpu.memory_space<vmem>>, vector<5000x128xf32>
      tpu.vector_store %arg5[%swap3A, %swap3A_18], %add3A_17 {strides = array<i32>} : memref<5000x128xf32, #tpu.memory_space<vmem>>, vector<5000x128xf32>,
    } else {
    }
    %ge3A = arith.constant 2 : i32
    %ge3A_2 = arith.cmpi sge, %arg0, %ge3A : i32
    %convert_element_type3A_3 = arith.extui %ge3A_2 : i1 to i32
    %cond3A_4 = arith.constant 0 : i32
    %cond3A_5 = arith.cmpi ne, %convert_element_type3A_3, %cond3A_4 : i32
    scf.if %cond3A_5 {
      %broadcast_in_dim3A = arith.constant 0.000000e+00 : f32
      %broadcast_in_dim3A_6 = vector.broadcast %broadcast_in_dim3A : f32 to vector<5000x128xf32>
      %swap3A = arith.constant 0 : index
      %swap3A_7 = arith.constant 0 : index
      %swap3A_8 = vector.load %arg5[%swap3A, %swap3A_7] : memref<5000x128xf32, #tpu.memory_space<vmem>>, vector<5000x128xf32>
      tpu.vector_store %arg5[%swap3A, %swap3A_7], %broadcast_in_dim3A_6 {strides = array<i32>} : memref<5000x128xf32, #tpu.memory_space<vmem>>, vector<5000x128xf32>,
    } else {
    }
    return
  }
  func.func @transform_0(%arg0: i32, %arg1: i32) -> (i32, i32) {
    %min3A = arith.constant 1 : i32
    %min3A_0 = arith.minsi %arg0, %min3A : i32
    %c0_i32 = arith.constant 0 : i32
    %c0_i32_1 = arith.constant 0 : i32
    return %min3A_0, %c0_i32 : i32, i32
  }
  func.func @transform_1(%arg0: i32, %arg1: i32) -> (i32, i32) {
    %c0_i32 = arith.constant 0 : i32
    %c0_i32_0 = arith.constant 0 : i32
    return %arg1, %c0_i32 : i32, i32
  }
  func.func @transform_2(%arg0: i32, %arg1: i32) -> (i32, i32, i32) {
    %c0_i32 = arith.constant 0 : i32
    %c0_i32_0 = arith.constant 0 : i32
    %c0_i32_1 = arith.constant 0 : i32
    return %arg1, %c0_i32, %c0_i32_0 : i32, i32, i32
  }
  func.func @transform_3(%arg0: i32, %arg1: i32) -> (i32, i32) {
    %lt3A = arith.constant 2 : i32
    %lt3A_0 = arith.cmpi slt, %arg0, %lt3A : i32
    %mul3A = arith.constant 2 : i32
    %mul3A_1 = arith.muli %arg1, %mul3A : i32
    %add3A = arith.addi %mul3A_1, %arg0 : i32
    %jit3A = arith.constant 8 : i32
    %select_n3A = arith.select %lt3A_0, %add3A, %jit3A : i32
    %c0_i32 = arith.constant 0 : i32
    %c0_i32_2 = arith.constant 0 : i32
    return %select_n3A, %c0_i32 : i32, i32
  }
}

module attributes {stable_mosaic.version = 14 : i64} {
  func.func @_merge_body(%arg0: i32, %arg1: memref<2x5000x128xf32, #tpu.memory_space<vmem>>, %arg2: memref<5000x128xf32, #tpu.memory_space<vmem>>) attributes {dimension_semantics = [#tpu.dimension_semantics<arbitrary>], iteration_bounds = array<i64: 2>, scalar_prefetch = 0 : i64, scratch_operands = 0 : i64, tpu.core_type = #tpu.core_type<tc>, window_params = [{transform_indices = @transform_0, window_bounds = array<i64: 2, 5000, 128>}, {transform_indices = @transform_1, window_bounds = array<i64: 5000, 128>}]} {
    %get3A = arith.constant 0 : index
    %get3A_0 = arith.constant 0 : index
    %get3A_1 = arith.constant 0 : index
    %get3A_2 = vector.load %arg1[%get3A, %get3A_0, %get3A_1] : memref<2x5000x128xf32, #tpu.memory_space<vmem>>, vector<1x5000x128xf32>
    %get3A_3 = vector.shape_cast %get3A_2 : vector<1x5000x128xf32> to vector<5000x128xf32>
    %get3A_4 = arith.constant 1 : index
    %get3A_5 = arith.constant 0 : index
    %get3A_6 = arith.constant 0 : index
    %get3A_7 = vector.load %arg1[%get3A_4, %get3A_5, %get3A_6] : memref<2x5000x128xf32, #tpu.memory_space<vmem>>, vector<1x5000x128xf32>
    %get3A_8 = vector.shape_cast %get3A_7 : vector<1x5000x128xf32> to vector<5000x128xf32>
    %add3A = arith.addf %get3A_3, %get3A_8 : vector<5000x128xf32>
    %swap3A = arith.constant 0 : index
    %swap3A_9 = arith.constant 0 : index
    %swap3A_10 = vector.load %arg2[%swap3A, %swap3A_9] : memref<5000x128xf32, #tpu.memory_space<vmem>>, vector<5000x128xf32>
    tpu.vector_store %arg2[%swap3A, %swap3A_9], %add3A {strides = array<i32>} : memref<5000x128xf32, #tpu.memory_space<vmem>>, vector<5000x128xf32>,
    return
  }
  func.func @transform_0(%arg0: i32) -> (i32, i32, i32) {
    %c0_i32 = arith.constant 0 : i32
    %c0_i32_0 = arith.constant 0 : i32
    %c0_i32_1 = arith.constant 0 : i32
    return %c0_i32, %arg0, %c0_i32_0 : i32, i32, i32
  }
  func.func @transform_1(%arg0: i32) -> (i32, i32) {
    %c0_i32 = arith.constant 0 : i32
    %c0_i32_0 = arith.constant 0 : i32
    return %arg0, %c0_i32 : i32, i32
  }
}

</mosaic_0001>

<sc_bundles>
// kernel: kernel.5.cloned.1.call-start
scs
__scs_entry_jumppad:
0x0: {  	(pc) =	sbr.rel $0x88, $3  }
0x1: {  	(tag) =	ssettag $0x0;
	lr =	simm.s32 $0x1  }
0x2: {  	[smem:$0x3F9D] =	sst lr;
	_ =	strace $0xD0000000  }
0x3: {  	_ = 	snop  }
0x4: {  	_ = 	snop  }
0x5: {  	_ = 	snop  }
0x6: {  	_ = 	snop  }
0x7: {  	_ = 	snop  }
__scs_overlays_trampoline_lowered:
0x8: {  	[smem:$0x3FAC] =	sst s0  }
0x9: {  	[smem:$0x3FAD] =	sst s1  }
0xa: {  	[smem:$0x3FAE] =	sst s2  }
0xb: {  	[smem:$0x3FAF] =	sst s3  }
0xc: {  	[smem:$0x3FB0] =	sst s4  }
0xd: {  	[smem:$0x3FB1] =	sst s5  }
0xe: {  	[smem:$0x3FB2] =	sst s6  }
0xf: {  	[smem:$0x3FB3] =	sst s7  }
0x10: {  	[smem:$0x3FB4] =	sst s8  }
0x11: {  	[smem:$0x3FB5] =	sst s9;
	s0 =	simm.s32 @!p0 $0x0  }
0x12: {  	s1 =	sld [smem:$0x3F9B];
	s0 =	simm.s32 @p0 $0x1  }
0x13: {  	[smem:$0x3FB6] =	sst s0;
	s0 =	simm.s32 @!p1 $0x0  }
0x14: {  	s2 =	sld [smem:$0x3F9A];
	s0 =	simm.s32 @p1 $0x1  }
0x15: {  	[smem:$0x3FB7] =	sst s0;
	s0 =	simm.s32 @!p2 $0x0  }
0x16: {  	s3 =	sld [smem:$0x3FDB];
	s0 =	simm.s32 @p2 $0x1  }
0x17: {  	s4 =	simm.s32 $0x1BF5;
	[smem:$0x3FB9] =	sst s0  }
0x18: {  	s0 =	sld [smem:$0x3F9C];
	_ =	swait.ge [sflag:s4], $0x0  }
0x19: {  	s7 =	sld [smem:$0x3F9D]  }
0x1a: {  	s8 =	sadd.s32 $0xFFFFE003, lr  }
0x1b: {  	s9 =	sadd.s32 $0xFFFFFEF7, lr;
	s5 =	simm.s32 $0xFFFFFFFF;
	p2 =	slt.u32 s8, $0xFFFFF086  }
0x1c: {  	p1 =	slt.u32 s9, $0xF7A;
	s5 =	simm.s32 @!p2 $0x0  }
0x1d: {  	s5 =	simm.s32 @p1 $0x1;
	p0 =	seq.s32 s7, s2  }
0x1e: {  	s7 =	smul.u32 @!p0 $0xF7A, s2;
	p2 =	seq.s32 @!p0 s5, $0x0  }
0x1f: {  	s9 =	smul.u32 $0xF7A, s1;
	s8 =	simm.s32 @!p0 $0x1BF5;
	p2 =	por !p2, p0  }
0x20: {  	[sflag:s8] =	ssyncset.s32 @!p0 $0xFFFFF086;
	s6 =	sadd.s32 @!p0 s3, s7;
	s7 =	simm.s32 @!p0 $0x108  }
0x21: {  	s3 =	sadd.s32 s3, s9;
	s6 =	sadd.s32 @!p0 $0x88, s6;
	s7 =	simm.s32 @p2 $0x1082  }
0x22: {  	[simem:s7], [sflag:s8] =	dma.local @!p0 [hbm:s6], $0xF7A  }
0x23: {  	s9 =	sor.u32 $0xD0000000, s2;
	s6 =	simm.s32 $0x108;
	_ =	swait.ge @!p0 [sflag:s8], $0x0  }
0x24: {  	s3 =	sadd.s32 $0x88, s3;
	s6 =	simm.s32 @!p1 $0x1082;
	[sflag:s4] =	ssyncset.s32 $0xFFFFF086  }
0x25: {  	[simem:s6], [sflag:s4] =	dma.local [hbm:s3], $0xF7A  }
0x26: {  	[smem:$0x3F9D] =	sst s1;
	(tag) =	ssettag s2;
	_ =	strace s9  }
0x27: {  	s1 =	sld [smem:$0x3FAD]  }
0x28: {  	s2 =	sld [smem:$0x3FAE]  }
0x29: {  	s4 =	sld [smem:$0x3FB0]  }
0x2a: {  	p0 =	seq.s32 s5, $0x0;
	s5 =	sld [smem:$0x3FB1]  }
0x2b: {  	s6 =	sld [smem:$0x3FB2]  }
0x2c: {  	s7 =	sld [smem:$0x3FB3]  }
0x2d: {  	s3 =	simm.s32 $0x108;
	s8 =	sld [smem:$0x3FB4]  }
0x2e: {  	s3 =	simm.s32 @!p0 $0x1082;
	s9 =	sld [smem:$0x3FB5]  }
0x2f: {  	lr =	sadd.s32 s0, s3;
	s0 =	sld [smem:$0x3FAC]  }
0x30: {  	s3 =	sld [smem:$0x3FAF]  }
0x31: {  	[smem:$0x3FB8] =	sst s10  }
0x32: {  	s10 =	sld [smem:$0x3FB6];
	_ =	sdelay $0x3  }
0x33: {  	p0 =	seq.s32 s10, $0x1;
	s10 =	sld [smem:$0x3FB8];
	_ =	sdelay $0x3  }
0x34: {  	[smem:$0x3FB8] =	sst s10  }
0x35: {  	s10 =	sld [smem:$0x3FB7];
	_ =	sdelay $0x3  }
0x36: {  	p1 =	seq.s32 s10, $0x1;
	s10 =	sld [smem:$0x3FB8];
	_ =	sdelay $0x3  }
0x37: {  	[smem:$0x3FB8] =	sst s10  }
0x38: {  	s10 =	sld [smem:$0x3FB9]  }
0x39: {  	_ = 	snop;
	(pc) =	sbr.ind lr, $3  }
0x3a: {  	_ = 	snop  }
0x3b: {  	_ = 	snop  }
0x3c: {  	p2 =	seq.s32 s10, $0x1;
	s10 =	sld [smem:$0x3FB8]  }
0x3d: {  	_ =	shalt  }
0x3e: {  	_ =	shalt  }
0x3f: {  	_ =	shalt  }
0x40: {  	_ =	shalt  }
0x41: {  	_ =	shalt  }
0x42: {  	_ =	shalt  }
0x43: {  	_ =	shalt  }
0x44: {  	_ =	shalt  }
0x45: {  	_ =	shalt  }
0x46: {  	_ =	shalt  }
0x47: {  	_ =	shalt  }
0x48: {  	_ =	shalt  }
0x49: {  	_ =	shalt  }
0x4a: {  	_ =	shalt  }
0x4b: {  	_ =	shalt  }
0x4c: {  	_ =	shalt  }
0x4d: {  	_ =	shalt  }
0x4e: {  	_ =	shalt  }
0x4f: {  	_ =	shalt  }
0x50: {  	_ =	shalt  }
0x51: {  	_ =	shalt  }
0x52: {  	_ =	shalt  }
0x53: {  	_ =	shalt  }
0x54: {  	_ =	shalt  }
0x55: {  	_ =	shalt  }
0x56: {  	_ =	shalt  }
0x57: {  	_ =	shalt  }
0x58: {  	_ =	shalt  }
0x59: {  	_ =	shalt  }
0x5a: {  	_ =	shalt  }
0x5b: {  	_ =	shalt  }
0x5c: {  	_ =	shalt  }
0x5d: {  	_ =	shalt  }
0x5e: {  	_ =	shalt  }
0x5f: {  	_ =	shalt  }
0x60: {  	_ =	shalt  }
0x61: {  	_ =	shalt  }
0x62: {  	_ =	shalt  }
0x63: {  	_ =	shalt  }
0x64: {  	_ =	shalt  }
0x65: {  	_ =	shalt  }
0x66: {  	_ =	shalt  }
0x67: {  	_ =	shalt  }
0x68: {  	_ =	shalt  }
0x69: {  	_ =	shalt  }
0x6a: {  	_ =	shalt  }
0x6b: {  	_ =	shalt  }
0x6c: {  	_ =	shalt  }
0x6d: {  	_ =	shalt  }
0x6e: {  	_ =	shalt  }
0x6f: {  	_ =	shalt  }
0x70: {  	_ =	shalt  }
0x71: {  	_ =	shalt  }
0x72: {  	_ =	shalt  }
0x73: {  	_ =	shalt  }
0x74: {  	_ =	shalt  }
0x75: {  	_ =	shalt  }
0x76: {  	_ =	shalt  }
0x77: {  	_ =	shalt  }
0x78: {  	_ =	shalt  }
0x79: {  	_ =	shalt  }
0x7a: {  	_ =	shalt  }
0x7b: {  	_ =	shalt  }
0x7c: {  	_ =	shalt  }
0x7d: {  	_ =	shalt  }
0x7e: {  	_ =	shalt  }
0x7f: {  	_ =	shalt  }
0x80: {  	_ =	shalt  }
0x81: {  	_ =	shalt  }
0x82: {  	_ =	shalt  }
0x83: {  	_ =	shalt  }
0x84: {  	_ =	shalt  }
0x85: {  	_ =	shalt  }
0x86: {  	_ =	shalt  }
0x87: {  	_ =	shalt  }
.Lfunc_end0:
.L_simem_size_0:
called_computation_lowered:
.L_overlay_start_0:
0x88: {  	s2 =	sld [smem:$0x3FD9]  }
0x89: {  	s3 =	sld [smem:$0x3FFE];
	_ =	sdelay $0x1  }
0x8a: {  	s1 =	srdreg.scid  }
0x8b: {  	s0 =	sand.u32 $0x1, s1  }
0x8c: {  	s17 =	sshll.u32 s0, $0xA;
	s2 =	sadd.s32 s3, s2  }
0x8d: {  	s2 =	sadd.s32 s2, s17  }
0x8e: {  	[smem:$0x3FC4] =	sst s2  }
0x8f: {  	_ = 	snop  }
0x90: {  	s2 =	sld [smem:$0x3FD0];
	(tm) =	ssettm $0x1  }
0x91: {  	s18 =	sld [smem:$0x3FFB];
	_ =	sdelay $0x3  }
0x92: {  	_ =	strace s18  }
0x93: {  	s3 =	sld [smem:$0x3FFC];
	_ =	sdelay $0x3  }
0x94: {  	_ =	strace s3  }
0x95: {  	s3 =	sld [smem:$0x3FFD];
	_ =	sdelay $0x3  }
0x96: {  	_ =	strace s3  }
0x97: {  	_ =	strace $0x8FFFFFFF  }
0x98: {  	s19 =	sld [smem:$0x3FDB];
	_ =	sdelay $0x1  }
0x99: {  	s4 =	simm.s32 $_scs_section_size  }
0x9a: {  	s5 =	simm.s32 $_size__tile_overlayer_lowered;
	s6 =	simm.s32 $_tile_overlayer_lowered  }
0x9b: {  	s22 =	simm.s32 $0x1BFF;
	s21 =	sshll.u32 s6, $0x1;
	s3 =	sadd.s32 s4, s19  }
0x9c: {  	s7 =	simm.s32 $0x0;
	s20 =	sshll.u32 s5, $0x1;
	s5 =	sadd.s32 s21, s3  }
0x9d: {  	[timem:s7], [sflag:s22] =	dma.local [hbm:s5], s20  }
0x9e: {  	_ =	swait.ge [sflag:s22], s20  }
0x9f: {  	s4 =	ssub.s32 $0x0, s20;
	[sflag:s22] =	ssyncset.done $0x0  }
0xa0: {  	[sflag:s22] =	ssyncadd.s32 s4;
	_ =	sdelay $0x1  }
0xa1: {  	s23 =	simm.s32 $0x1B8B  }
0xa2: {  	_ =	swait.ge [sflag:s23], $0x1  }
0xa3: {  	[sflag:s23] =	ssyncset.done $0x0  }
0xa4: {  	s25 =	simm.s32 $0x1B8E;
	s24 =	sld [smem:$0x3FFE];
	[sflag:s23] =	ssyncadd.s32 $0xFFFFFFFF  }
0xa5: {  	s26 =	simm.s32 $execute0_lowered;
	[smem:$0x3FD2] =	sst s25  }
0xa6: {  	s5 =	sshll.u32 s26, $0x1;
	_ =	strace $0x80000046;
	[dreg:$0x1] =	wrdreg $0xFFFFFFFF  }
0xa7: {  	s28 =	simm.s32 $_size_execute0_lowered;
	s3 =	sadd.s32 s3, s5;
	[dreg:$0x0] =	wrdreg $0x0  }
0xa8: {  	s5 =	sshll.u32 s28, $0x1;
	[dreg:$0x2] =	wrdreg s3  }
0xa9: {  	[dreg:$0x3] =	wrdreg s5  }
0xaa: {  	[dreg:$0x4] =	wrdreg $0xC0  }
0xab: {  	_ =	task [dreg:s7], $0x5FFFF  }
0xac: {  	[dreg:$0x1] =	wrdreg $0xFFFFFFFF  }
0xad: {  	[dreg:$0x0] =	wrdreg $0x60  }
0xae: {  	[dreg:$0x2] =	wrdreg s24  }
0xaf: {  	[dreg:$0x3] =	wrdreg s2  }
0xb0: {  	[dreg:$0x4] =	wrdreg $0xB8000  }
0xb1: {  	[dreg:$0x5] =	wrdreg $0x9  }
0xb2: {  	_ =	task.clear_ibuf [dreg:s7], $0x6FFFF;
	_ =	strace $0x90000046  }
0xb3: {  	s29 =	simm.s32 $0x9;
	_ =	strace $0x80000048  }
0xb4: {  	_ =	swait.ge [sflag:s29], $0x1  }
0xb5: {  	[sflag:s29] =	ssyncadd.s32 $0xFFFFFFFF  }
0xb6: {  	_ =	strace $0x90000048  }
0xb7: {  	_ =	sfence  }
0xb8: {  	s30 =	sld [smem:$0x0];
	_ =	sdelay $0x2  }
0xb9: {  	s31 =	sshll.u32 s1, $0xD;
	s1 =	sshrl.u32 s1, $0x2  }
0xba: {  	s3 =	sand.u32 $0x4000, s31;
	s1 =	sadd.s32 s1, s30  }
0xbb: {  	s0 =	sor.u32 s3, s0;
	s1 =	sshll.u32 s1, $0x11  }
0xbc: {  	s0 =	sor.u32 s1, s0  }
0xbd: {  	s0 =	sadd.s32 $0x8F2B, s0  }
0xbe: {  	[sflag:s0] =	ssyncadd.remote.s32 $0x1  }
0xbf: {  	_ =	sfence.sel $0xFFFF  }
0xc0: {  	[dreg:$0x0] =	wrdreg $0xFFFFFFFF;
	(pc) =	sbr.abs _section_cstart, $3  }
0xc1: {  	[dreg:$0x1] =	wrdreg $0xFFFFFFFF  }
0xc2: {  	_ =	task.clear_ibuf [dreg:s7], $0x2FFFF;
	_ =	strace $0x9FFFFFFF  }
0xc3: {  	(tm) =	ssettm $0x7FFFFFFF  }
tec
execute0_lowered:
.L_overlay_start_1:
0x0: {  	(tag) =	ssettag $0x1  }
0x1: {  	s8 =	rddreg [dreg:$0x0]  }
0x2: {  	s6 =	rddreg [dreg:$0x1]  }
0x3: {  	s1 =	rddreg [dreg:$0x2];
	s2 =	srdreg.scid  }
0x4: {  	s0 =	rddreg [dreg:$0x3];
	s3 =	simm.s32 $0x0;
	s16 =	simm.s32 $0x80  }
0x5: {  	s17 =	simm.s32 $0x3800;
	s18 =	simm.s32 $0x7800;
	s7 =	sand.u32 $0x1, s2  }
0x6: {  	s19 =	simm.s32 $0x1;
	s2 =	stileid.u32;
	s9 =	smul.u32 $0x140000, s7  }
0x7: {  	s20 =	simm.s32 $0x2;
	s21 =	simm.s32 $0x3;
	s10 =	smul.u32 $0x14000, s2  }
0x8: {  	s22 =	simm.s32 $0x0;
	[smem:$0x7FF] =	sst s3;
	s12 =	smul.u32 $0x50000, s2  }
0x9: {  	s4 =	sadd.s32 $0xAC00, s8;
	s5 =	sshll.u32 s7, $0x4;
	s14 =	smul.u32 $0x28000, s7  }
0xa: {  	_ =	strace $0x80000047;
	s26 =	ssub.s32 $0x2, s7;
	s29 =	smul.u32 $0x2800, s2  }
0xb: {  	s31 =	sshll.u32 s2, $0x6;
	s11 =	sor.u32 s2, s5;
	s5 =	sadd.s32 $0xC00, s8  }
0xc: {  	s13 =	sshrl.u32 s26, $0x1;
	s9 =	sadd.s32 s10, s9;
	s25 =	smul.u32 $0x2800, s11  }
0xd: {  	s11 =	ssub.s32 s26, s13;
	s12 =	sshrl.u32 s12, $0x2;
	s30 =	sadd.s32 s29, s14  }
.Ltmp0:
0xe: {  	s13 =	simm.s32 $0x2800;
	s14 =	sor.u32 $0x1C04, s31;
	(pc) =	sbr.rel .LBB2_1-.Ltmp0, $4  }
0xf: {  	s9 =	sshrl.u32 s9, $0x3;
	s15 =	sadd.s32 s12, s1;
	s10 =	smax.u32 s11, $0x1  }
0x10: {  	s11 =	sadd.s32 $0x800, s30;
	s12 =	simm.s32 $0x4;
	s9 =	sadd.s32 s9, s8  }
0x11: {  	s28 =	sshrl.u32 s25, $0x3;
	s8 =	sadd.s32 $0xA7000, s8;
	s15 =	sshrl.u32 s15, $0x3  }
0x12: {  	s6 =	sadd.s32 s6, s28;
	s7 =	sadd.s32 s5, s28;
	s9 =	sadd.s32 $0xBAA00, s9  }
.LBB2_3:
0x13: {  	_ =	swait.ge [sflag:s20], $0x4000  }
0x14: {  	[sflag:s20] =	ssyncset.done $0x0  }
0x15: {  	s23 =	sadd.s32 $0x2F80, s25;
	[sflag:s20] =	ssyncadd.s32 $0xFFFFC000  }
0x16: {  	[spmem:s1] =	stream.indirect.scatter.add.f32 [tilespmem:s18], [sflag:$0x4], $0x80, s23, s16, $0xb8;
	[tilespmem:$0x1F800] =	vst v63  }
0x17: {  	_ =	swait.ge [sflag:s12], $0x4000  }
0x18: {  	[sflag:s12] =	ssyncset.done $0x0  }
0x19: {  	[sflag:s12] =	ssyncadd.s32 $0xFFFFC000  }
.LBB2_5:
0x1a: {  	s22 =	sadd.s32 $0x1, s22  }
0x1b: {  	p0 =	sne.s32 s22, s10  }
.Ltmp1:
0x1c: {  	[bflag:$0x0] =	sbarrier.arrive $0xFFFF;
	(pc) =	sbr.rel @!p0 .LBB2_6-.Ltmp1, $4  }
0x1d: {  	[hbm:s9], [sflag:s14] =	dma.local [spmem:s15], $0x2800  }
0x1e: {  	_ =	swait.ge [sflag:s12], $0x2800  }
0x1f: {  	[sflag:s12] =	ssyncset.done $0x0  }
0x20: {  	[sflag:s12] =	ssyncadd.s32 $0xFFFFD800  }
.LBB2_1:
0x21: {  	[tilespmem:s3], [sflag:$0x4] =	stream.linear.gather [hbm4b:s6+s3], $0x2800, $0x38;
	[tilespmem:$0x1F800] =	vst v63  }
0x22: {  	_ =	swait.ge [sflag:s12], $0x2800  }
0x23: {  	[sflag:s12] =	ssyncset.done $0x0  }
0x24: {  	[sflag:s12] =	ssyncadd.s32 $0xFFFFD800  }
0x25: {  	[tilespmem:s13], [sflag:$0x4] =	stream.linear.gather [hbm4b:s7+s3], $0x800, $0x38;
	[tilespmem:$0x1F800] =	vst v63  }
0x26: {  	_ =	swait.ge [sflag:s12], $0x800  }
0x27: {  	[sflag:s12] =	ssyncset.done $0x0  }
0x28: {  	[sflag:s12] =	ssyncadd.s32 $0xFFFFF800  }
0x29: {  	[spmem:s15], [sflag:s14] =	dma.local [hbm:s8], $0x2800  }
0x2a: {  	_ =	swait.ge [sflag:s12], $0x2800  }
0x2b: {  	[sflag:s12] =	ssyncset.done $0x0  }
0x2c: {  	[sflag:s12] =	ssyncadd.s32 $0xFFFFD800  }
0x2d: {  	s23 =	simm.s32 $0x0;
	s24 =	simm.s32 $0x0;
	[bflag:$0x0] =	sbarrier.arrive $0xFFFF  }
0x2e: {  	[tilespmem:s17], [sflag:$0x1] =	stream.indirect.gather [hbm4b:s4+s16], $0x80, s3, s16, $0xb8;
	[tilespmem:$0x1F800] =	vst v63  }
.LBB2_2:
0x2f: {  	p0 =	seq.s32 s23, $0x8000  }
0x30: {  	s25 =	sadd.s32 @!p0 s24, s11;
	s26 =	sxor.u32 @!p0 $0xFFFFFFFF, s24  }
0x31: {  	s26 =	sand.u32 @!p0 $0x800, s26;
	s25 =	sshrl.u32 @!p0 s25, $0x3  }
0x32: {  	s28 =	simm.s32 @!p0 $0x0;
	s26 =	sadd.s32 @!p0 $0x2800, s26;
	s25 =	sadd.s32 @!p0 s5, s25  }
0x33: {  	[tilespmem:s26], [sflag:$0x3] =	stream.linear.gather @!p0 [hbm4b:s25+s28], $0x800, $0x38;
	[tilespmem:$0x1F800] =	vst v63  }
0x34: {  	s26 =	sshra.s32 s23, $0x2  }
0x35: {  	s29 =	sadd.s32 $0x80, s26  }
0x36: {  	[tilespmem:s18], [sflag:$0x2] =	stream.indirect.gather [hbm4b:s4+s16], $0x80, s29, s16, $0xb8;
	[tilespmem:$0x1F800] =	vst v63  }
0x37: {  	_ =	swait.ge [sflag:s19], $0x4000  }
0x38: {  	s25 =	sand.u32 $0x800, s24;
	[sflag:s19] =	ssyncset.done $0x0  }
0x39: {  	s30 =	sadd.s32 $0x2800, s25;
	[sflag:s19] =	ssyncadd.s32 $0xFFFFC000  }
0x3a: {  	[spmem:s1] =	stream.indirect.scatter.add.f32 [tilespmem:s17], [sflag:$0x4], $0x80, s30, s16, $0xb8;
	[tilespmem:$0x1F800] =	vst v63  }
0x3b: {  	_ =	swait.ge [sflag:s12], $0x4000  }
0x3c: {  	[sflag:s12] =	ssyncset.done $0x0  }
0x3d: {  	s31 =	sadd.s32 $0x100, s26;
	[sflag:s12] =	ssyncadd.s32 $0xFFFFC000  }
0x3e: {  	[tilespmem:s17], [sflag:$0x1] =	stream.indirect.gather [hbm4b:s4+s16], $0x80, s31, s16, $0xb8;
	[tilespmem:$0x1F800] =	vst v63  }
0x3f: {  	_ =	swait.ge [sflag:s20], $0x4000  }
0x40: {  	[sflag:s20] =	ssyncset.done $0x0  }
0x41: {  	s29 =	sadd.s32 $0x2880, s25;
	[sflag:s20] =	ssyncadd.s32 $0xFFFFC000  }
0x42: {  	[spmem:s1] =	stream.indirect.scatter.add.f32 [tilespmem:s18], [sflag:$0x4], $0x80, s29, s16, $0xb8;
	[tilespmem:$0x1F800] =	vst v63  }
0x43: {  	_ =	swait.ge [sflag:s12], $0x4000  }
0x44: {  	[sflag:s12] =	ssyncset.done $0x0  }
0x45: {  	s30 =	sadd.s32 $0x180, s26;
	[sflag:s12] =	ssyncadd.s32 $0xFFFFC000  }
0x46: {  	[tilespmem:s18], [sflag:$0x2] =	stream.indirect.gather [hbm4b:s4+s16], $0x80, s30, s16, $0xb8;
	[tilespmem:$0x1F800] =	vst v63  }
0x47: {  	_ =	swait.ge [sflag:s19], $0x4000  }
0x48: {  	[sflag:s19] =	ssyncset.done $0x0  }
0x49: {  	s31 =	sadd.s32 $0x2900, s25;
	[sflag:s19] =	ssyncadd.s32 $0xFFFFC000  }
0x4a: {  	[spmem:s1] =	stream.indirect.scatter.add.f32 [tilespmem:s17], [sflag:$0x4], $0x80, s31, s16, $0xb8;
	[tilespmem:$0x1F800] =	vst v63  }
0x4b: {  	_ =	swait.ge [sflag:s12], $0x4000  }
0x4c: {  	[sflag:s12] =	ssyncset.done $0x0  }
0x4d: {  	s29 =	sadd.s32 $0x200, s26;
	[sflag:s12] =	ssyncadd.s32 $0xFFFFC000  }
0x4e: {  	[tilespmem:s17], [sflag:$0x1] =	stream.indirect.gather [hbm4b:s4+s16], $0x80, s29, s16, $0xb8;
	[tilespmem:$0x1F800] =	vst v63  }
0x4f: {  	_ =	swait.ge [sflag:s20], $0x4000  }
0x50: {  	[sflag:s20] =	ssyncset.done $0x0  }
0x51: {  	s30 =	sadd.s32 $0x2980, s25;
	[sflag:s20] =	ssyncadd.s32 $0xFFFFC000  }
0x52: {  	[spmem:s1] =	stream.indirect.scatter.add.f32 [tilespmem:s18], [sflag:$0x4], $0x80, s30, s16, $0xb8;
	[tilespmem:$0x1F800] =	vst v63  }
0x53: {  	_ =	swait.ge [sflag:s12], $0x4000  }
0x54: {  	[sflag:s12] =	ssyncset.done $0x0  }
0x55: {  	s31 =	sadd.s32 $0x280, s26;
	[sflag:s12] =	ssyncadd.s32 $0xFFFFC000  }
0x56: {  	[tilespmem:s18], [sflag:$0x2] =	stream.indirect.gather [hbm4b:s4+s16], $0x80, s31, s16, $0xb8;
	[tilespmem:$0x1F800] =	vst v63  }
0x57: {  	_ =	swait.ge [sflag:s19], $0x4000  }
0x58: {  	[sflag:s19] =	ssyncset.done $0x0  }
0x59: {  	s29 =	sadd.s32 $0x2A00, s25;
	[sflag:s19] =	ssyncadd.s32 $0xFFFFC000  }
0x5a: {  	[spmem:s1] =	stream.indirect.scatter.add.f32 [tilespmem:s17], [sflag:$0x4], $0x80, s29, s16, $0xb8;
	[tilespmem:$0x1F800] =	vst v63  }
0x5b: {  	_ =	swait.ge [sflag:s12], $0x4000  }
0x5c: {  	[sflag:s12] =	ssyncset.done $0x0  }
0x5d: {  	s30 =	sadd.s32 $0x300, s26;
	[sflag:s12] =	ssyncadd.s32 $0xFFFFC000  }
0x5e: {  	[tilespmem:s17], [sflag:$0x1] =	stream.indirect.gather [hbm4b:s4+s16], $0x80, s30, s16, $0xb8;
	[tilespmem:$0x1F800] =	vst v63  }
0x5f: {  	_ =	swait.ge [sflag:s20], $0x4000  }
0x60: {  	[sflag:s20] =	ssyncset.done $0x0  }
0x61: {  	s31 =	sadd.s32 $0x2A80, s25;
	[sflag:s20] =	ssyncadd.s32 $0xFFFFC000  }
0x62: {  	[spmem:s1] =	stream.indirect.scatter.add.f32 [tilespmem:s18], [sflag:$0x4], $0x80, s31, s16, $0xb8;
	[tilespmem:$0x1F800] =	vst v63  }
0x63: {  	_ =	swait.ge [sflag:s12], $0x4000  }
0x64: {  	[sflag:s12] =	ssyncset.done $0x0  }
0x65: {  	s29 =	sadd.s32 $0x380, s26;
	[sflag:s12] =	ssyncadd.s32 $0xFFFFC000  }
0x66: {  	[tilespmem:s18], [sflag:$0x2] =	stream.indirect.gather [hbm4b:s4+s16], $0x80, s29, s16, $0xb8;
	[tilespmem:$0x1F800] =	vst v63  }
0x67: {  	_ =	swait.ge [sflag:s19], $0x4000  }
0x68: {  	[sflag:s19] =	ssyncset.done $0x0  }
0x69: {  	s30 =	sadd.s32 $0x2B00, s25;
	[sflag:s19] =	ssyncadd.s32 $0xFFFFC000  }
0x6a: {  	[spmem:s1] =	stream.indirect.scatter.add.f32 [tilespmem:s17], [sflag:$0x4], $0x80, s30, s16, $0xb8;
	[tilespmem:$0x1F800] =	vst v63  }
0x6b: {  	_ =	swait.ge [sflag:s12], $0x4000  }
0x6c: {  	[sflag:s12] =	ssyncset.done $0x0  }
0x6d: {  	s31 =	sadd.s32 $0x400, s26;
	[sflag:s12] =	ssyncadd.s32 $0xFFFFC000  }
0x6e: {  	[tilespmem:s17], [sflag:$0x1] =	stream.indirect.gather [hbm4b:s4+s16], $0x80, s31, s16, $0xb8;
	[tilespmem:$0x1F800] =	vst v63  }
0x6f: {  	_ =	swait.ge [sflag:s20], $0x4000  }
0x70: {  	[sflag:s20] =	ssyncset.done $0x0  }
0x71: {  	s29 =	sadd.s32 $0x2B80, s25;
	[sflag:s20] =	ssyncadd.s32 $0xFFFFC000  }
0x72: {  	[spmem:s1] =	stream.indirect.scatter.add.f32 [tilespmem:s18], [sflag:$0x4], $0x80, s29, s16, $0xb8;
	[tilespmem:$0x1F800] =	vst v63  }
0x73: {  	_ =	swait.ge [sflag:s12], $0x4000  }
0x74: {  	[sflag:s12] =	ssyncset.done $0x0  }
0x75: {  	s30 =	sadd.s32 $0x480, s26;
	[sflag:s12] =	ssyncadd.s32 $0xFFFFC000  }
0x76: {  	[tilespmem:s18], [sflag:$0x2] =	stream.indirect.gather [hbm4b:s4+s16], $0x80, s30, s16, $0xb8;
	[tilespmem:$0x1F800] =	vst v63  }
0x77: {  	_ =	swait.ge [sflag:s19], $0x4000  }
0x78: {  	[sflag:s19] =	ssyncset.done $0x0  }
0x79: {  	s31 =	sadd.s32 $0x2C00, s25;
	[sflag:s19] =	ssyncadd.s32 $0xFFFFC000  }
0x7a: {  	[spmem:s1] =	stream.indirect.scatter.add.f32 [tilespmem:s17], [sflag:$0x4], $0x80, s31, s16, $0xb8;
	[tilespmem:$0x1F800] =	vst v63  }
0x7b: {  	_ =	swait.ge [sflag:s12], $0x4000  }
0x7c: {  	[sflag:s12] =	ssyncset.done $0x0  }
0x7d: {  	s29 =	sadd.s32 $0x500, s26;
	[sflag:s12] =	ssyncadd.s32 $0xFFFFC000  }
0x7e: {  	[tilespmem:s17], [sflag:$0x1] =	stream.indirect.gather [hbm4b:s4+s16], $0x80, s29, s16, $0xb8;
	[tilespmem:$0x1F800] =	vst v63  }
0x7f: {  	_ =	swait.ge [sflag:s20], $0x4000  }
0x80: {  	[sflag:s20] =	ssyncset.done $0x0  }
0x81: {  	s30 =	sadd.s32 $0x2C80, s25;
	[sflag:s20] =	ssyncadd.s32 $0xFFFFC000  }
0x82: {  	[spmem:s1] =	stream.indirect.scatter.add.f32 [tilespmem:s18], [sflag:$0x4], $0x80, s30, s16, $0xb8;
	[tilespmem:$0x1F800] =	vst v63  }
0x83: {  	_ =	swait.ge [sflag:s12], $0x4000  }
0x84: {  	[sflag:s12] =	ssyncset.done $0x0  }
0x85: {  	s31 =	sadd.s32 $0x580, s26;
	[sflag:s12] =	ssyncadd.s32 $0xFFFFC000  }
0x86: {  	[tilespmem:s18], [sflag:$0x2] =	stream.indirect.gather [hbm4b:s4+s16], $0x80, s31, s16, $0xb8;
	[tilespmem:$0x1F800] =	vst v63  }
0x87: {  	_ =	swait.ge [sflag:s19], $0x4000  }
0x88: {  	[sflag:s19] =	ssyncset.done $0x0  }
0x89: {  	s29 =	sadd.s32 $0x2D00, s25;
	[sflag:s19] =	ssyncadd.s32 $0xFFFFC000  }
0x8a: {  	[spmem:s1] =	stream.indirect.scatter.add.f32 [tilespmem:s17], [sflag:$0x4], $0x80, s29, s16, $0xb8;
	[tilespmem:$0x1F800] =	vst v63  }
0x8b: {  	_ =	swait.ge [sflag:s12], $0x4000  }
0x8c: {  	[sflag:s12] =	ssyncset.done $0x0  }
0x8d: {  	s30 =	sadd.s32 $0x600, s26;
	[sflag:s12] =	ssyncadd.s32 $0xFFFFC000  }
0x8e: {  	[tilespmem:s17], [sflag:$0x1] =	stream.indirect.gather [hbm4b:s4+s16], $0x80, s30, s16, $0xb8;
	[tilespmem:$0x1F800] =	vst v63  }
0x8f: {  	_ =	swait.ge [sflag:s20], $0x4000  }
0x90: {  	[sflag:s20] =	ssyncset.done $0x0  }
0x91: {  	s31 =	sadd.s32 $0x2D80, s25;
	[sflag:s20] =	ssyncadd.s32 $0xFFFFC000  }
0x92: {  	[spmem:s1] =	stream.indirect.scatter.add.f32 [tilespmem:s18], [sflag:$0x4], $0x80, s31, s16, $0xb8;
	[tilespmem:$0x1F800] =	vst v63  }
0x93: {  	_ =	swait.ge [sflag:s12], $0x4000  }
0x94: {  	[sflag:s12] =	ssyncset.done $0x0  }
0x95: {  	s29 =	sadd.s32 $0x680, s26;
	[sflag:s12] =	ssyncadd.s32 $0xFFFFC000  }
0x96: {  	[tilespmem:s18], [sflag:$0x2] =	stream.indirect.gather [hbm4b:s4+s16], $0x80, s29, s16, $0xb8;
	[tilespmem:$0x1F800] =	vst v63  }
0x97: {  	_ =	swait.ge [sflag:s19], $0x4000  }
0x98: {  	[sflag:s19] =	ssyncset.done $0x0  }
0x99: {  	s30 =	sadd.s32 $0x2E00, s25;
	[sflag:s19] =	ssyncadd.s32 $0xFFFFC000  }
0x9a: {  	[spmem:s1] =	stream.indirect.scatter.add.f32 [tilespmem:s17], [sflag:$0x4], $0x80, s30, s16, $0xb8;
	[tilespmem:$0x1F800] =	vst v63  }
0x9b: {  	_ =	swait.ge [sflag:s12], $0x4000  }
0x9c: {  	[sflag:s12] =	ssyncset.done $0x0  }
0x9d: {  	s31 =	sadd.s32 $0x700, s26;
	[sflag:s12] =	ssyncadd.s32 $0xFFFFC000  }
0x9e: {  	[tilespmem:s17], [sflag:$0x1] =	stream.indirect.gather [hbm4b:s4+s16], $0x80, s31, s16, $0xb8;
	[tilespmem:$0x1F800] =	vst v63  }
0x9f: {  	_ =	swait.ge [sflag:s20], $0x4000  }
0xa0: {  	[sflag:s20] =	ssyncset.done $0x0  }
0xa1: {  	s29 =	sadd.s32 $0x2E80, s25;
	[sflag:s20] =	ssyncadd.s32 $0xFFFFC000  }
0xa2: {  	[spmem:s1] =	stream.indirect.scatter.add.f32 [tilespmem:s18], [sflag:$0x4], $0x80, s29, s16, $0xb8;
	[tilespmem:$0x1F800] =	vst v63  }
0xa3: {  	_ =	swait.ge [sflag:s12], $0x4000  }
0xa4: {  	[sflag:s12] =	ssyncset.done $0x0  }
0xa5: {  	s30 =	sadd.s32 $0x780, s26;
	[sflag:s12] =	ssyncadd.s32 $0xFFFFC000  }
0xa6: {  	[tilespmem:s18], [sflag:$0x2] =	stream.indirect.gather [hbm4b:s4+s16], $0x80, s30, s16, $0xb8;
	[tilespmem:$0x1F800] =	vst v63  }
0xa7: {  	_ =	swait.ge [sflag:s19], $0x4000  }
0xa8: {  	p0 =	sne.s32 s23, $0x8000;
	[sflag:s19] =	ssyncset.done $0x0  }
.Ltmp2:
0xa9: {  	s31 =	sadd.s32 $0x2F00, s25;
	[sflag:s19] =	ssyncadd.s32 $0xFFFFC000;
	(pc) =	sbr.rel @!p0 .LBB2_3-.Ltmp2, $4  }
0xaa: {  	[spmem:s1] =	stream.indirect.scatter.add.f32 [tilespmem:s17], [sflag:$0x4], $0x80, s31, s16, $0xb8;
	[tilespmem:$0x1F800] =	vst v63  }
0xab: {  	_ =	swait.ge [sflag:s12], $0x4000  }
0xac: {  	[sflag:s12] =	ssyncset.done $0x0  }
0xad: {  	[sflag:s12] =	ssyncadd.s32 $0xFFFFC000  }
0xae: {  	s26 =	sadd.s32 $0x800, s26  }
0xaf: {  	[tilespmem:s17], [sflag:$0x1] =	stream.indirect.gather [hbm4b:s4+s16], $0x80, s26, s16, $0xb8;
	[tilespmem:$0x1F800] =	vst v63  }
0xb0: {  	_ =	swait.ge [sflag:s20], $0x4000  }
0xb1: {  	[sflag:s20] =	ssyncset.done $0x0  }
0xb2: {  	s25 =	sadd.s32 $0x2F80, s25;
	s23 =	sadd.s32 $0x2000, s23;
	[sflag:s20] =	ssyncadd.s32 $0xFFFFC000  }
0xb3: {  	[spmem:s1] =	stream.indirect.scatter.add.f32 [tilespmem:s18], [sflag:$0x4], $0x80, s25, s16, $0xb8;
	[tilespmem:$0x1F800] =	vst v63  }
0xb4: {  	p0 =	sne.s32 s23, $0xA000;
	_ =	swait.ge [sflag:s12], $0x4000  }
.Ltmp3:
0xb5: {  	[sflag:s12] =	ssyncset.done $0x0;
	(pc) =	sbr.rel @p0 .LBB2_2-.Ltmp3, $4  }
.Ltmp4:
0xb6: {  	[sflag:s12] =	ssyncadd.s32 $0xFFFFC000;
	(pc) =	sbr.rel @!p0 .LBB2_5-.Ltmp4, $4  }
0xb7: {  	_ =	swait.ge [sflag:s21], $0x800  }
0xb8: {  	[sflag:s21] =	ssyncset.done $0x0  }
0xb9: {  	s24 =	sadd.s32 $0x800, s24;
	[sflag:s21] =	ssyncadd.s32 $0xFFFFF800  }
0xba: {  	_ = 	snop  }
.LBB2_6:
0xbb: {  	_ =	sfence.sel $0x180000  }
0xbc: {  	[bflag:$0x0] =	sbarrier.arrive $0xFFFF  }
0xbd: {  	p0 =	sne.s32 s2, $0x0;
	_ =	strace $0x90000047  }
0xbe: {  	s0 =	sadd.s32 @!p0 $0x100000, s0;
	[bflag:$0x2] =	sbarrier.arrive $0xFFFF  }
0xbf: {  	[sflag:s0] =	ssyncadd.tile.s32 @!p0 $0x1;
	_ =	shalt  }
.Lfunc_end2:
_tile_overlayer_lowered:
.L_overlay_start_2:
0xc0: {  	(tag) =	ssettag $0x2  }
0xc1: {  	s0 =	rddreg [dreg:$0x0];
	s2 =	stileid.u32  }
0xc2: {  	s1 =	rddreg [dreg:$0x1];
	p0 =	sne.s32 s2, $0x0  }
0xc3: {  	s3 =	rddreg [dreg:$0x2];
	[bflag:$0x3] =	sbarrier.arrive $0xFFFF;
	s2 =	simm.s32 @!p0 $0x1C04  }
0xc4: {  	[timem:s3], [sflag:s2] =	dma.local @!p0 [hbm:s0], s1  }
0xc5: {  	s0 =	simm.s32 @!p0 $0x4  }
0xc6: {  	_ =	swait.ge @!p0 [sflag:s0], s1  }
0xc7: {  	s1 =	ssub.s32 @!p0 $0x0, s1;
	[sflag:s0] =	ssyncset.done @!p0 $0x0  }
0xc8: {  	[sflag:s0] =	ssyncadd.s32 @!p0 s1  }
0xc9: {  	[bflag:$0x3] =	sbarrier.arrive $0xFFFF  }
0xca: {  	_ =	shalt  }

</sc_bundles>
